<compile_context>
chip_gen: v7x
topology: tpu7x:2x2x1
jax: 0.10.2.dev20260603
libtpu: 0.0.44.dev20260713+nightly
codegen_flags: <defaults>
</compile_context>

<pallas_src>
import functools

import jax
import jax.numpy as jnp
from jax import lax
from jax.experimental import pallas as pl
from jax.experimental.pallas import tpu as pltpu
from jax.experimental.pallas import tpu_sc as plsc

N = 10000
E = 160000
D = 256
DH = 128
NS = 16
C = 120
PASS = 42
NPASS = 2
NCH = PASS * NPASS
EP = NS * NCH * C
NP = 10240
PAD_DST = 10200
RPW = NP // NS


def _sc_segment_sum(src3, dst3, x0, x1, z):
    mesh = plsc.VectorSubcoreMesh(core_axis_name="c", subcore_axis_name="s")

    @functools.partial(
        pl.kernel,
        out_type=jax.ShapeDtypeStruct((2, NP, DH), jnp.float32),
        mesh=mesh,
        scratch_types=[
            pltpu.VMEM((PASS, C), jnp.int32),
            pltpu.VMEM((PASS, C), jnp.int32),
            pltpu.VMEM((C, DH), jnp.float32),
            pltpu.VMEM((C, DH), jnp.float32),
            pltpu.VMEM_SHARED((NP, DH), jnp.float32),
            pltpu.SemaphoreType.DMA,
            pltpu.SemaphoreType.DMA,
        ],
    )
    def sc_seg(src_hbm, dst_hbm, x0_hbm, x1_hbm, z_hbm, s_hbm,
               srcv, dstv, rows_a, rows_b, acc, sem_a, sem_b):
        c = lax.axis_index("c")
        s = lax.axis_index("s")
        base = s * RPW

        pltpu.async_copy(z_hbm.at[pl.ds(base, RPW)],
                         acc.at[pl.ds(base, RPW)], sem_a).wait()
        plsc.subcore_barrier()

        def run(x_hbm):
            def gstart(j, buf, sem):
                pltpu.async_copy(x_hbm.at[srcv.at[j]], buf, sem)

            def gwait(j, buf, sem):
                pltpu.make_async_copy(x_hbm.at[srcv.at[j]], buf, sem).wait()

            def pair(j, start_ahead):
                gwait(j, rows_a, sem_a)
                gstart(j + 1, rows_b, sem_b)
                pltpu.sync_copy(rows_a, acc.at[dstv.at[j]], add=True)
                gwait(j + 1, rows_b, sem_b)
                if start_ahead:
                    gstart(j + 2, rows_a, sem_a)
                pltpu.sync_copy(rows_b, acc.at[dstv.at[j + 1]], add=True)

            @pl.loop(0, NPASS)
            def _(p):
                pltpu.async_copy(src_hbm.at[s, p], srcv, sem_a).wait()
                pltpu.async_copy(dst_hbm.at[s, p], dstv, sem_b).wait()
                gstart(0, rows_a, sem_a)

                @pl.loop(0, PASS - 2, step=2)
                def _(j):
                    pair(j, True)

                pair(PASS - 2, False)

        @pl.when(c == 0)
        def _():
            run(x0_hbm)

        @pl.when(c == 1)
        def _():
            run(x1_hbm)

        plsc.subcore_barrier()
        pltpu.async_copy(acc.at[pl.ds(base, RPW)],
                         s_hbm.at[c, pl.ds(base, RPW)], sem_a).wait()

    return sc_seg(src3, dst3, x0, x1, z)


BLK = 400


def _tc_matmul_body(s_ref, wt_ref, o_ref):
    a = jnp.dot(s_ref[0], wt_ref[:DH, :],
                preferred_element_type=jnp.float32,
                precision=lax.Precision.HIGHEST)
    b = jnp.dot(s_ref[1], wt_ref[DH:, :],
                preferred_element_type=jnp.float32,
                precision=lax.Precision.HIGHEST)
    o_ref[...] = a + b


_tc_matmul = functools.partial(
    pl.pallas_call,
    out_shape=jax.ShapeDtypeStruct((N, D), jnp.float32),
    grid=(N // BLK,),
    in_specs=[
        pl.BlockSpec((2, BLK, DH), lambda i: (0, i, 0)),
        pl.BlockSpec((D, D), lambda i: (0, 0)),
    ],
    out_specs=pl.BlockSpec((BLK, D), lambda i: (i, 0)),
)(_tc_matmul_body)


@jax.jit
def kernel(edge_index, X, W):
    pad = EP - E
    src3 = jnp.concatenate(
        [edge_index[0], jnp.zeros((pad,), jnp.int32)]
    ).reshape(NS, NPASS, PASS, C)
    dst3 = jnp.concatenate(
        [edge_index[1], jnp.full((pad,), PAD_DST, jnp.int32)]
    ).reshape(NS, NPASS, PASS, C)
    x0 = X[:, :DH]
    x1 = X[:, DH:]
    z = jnp.zeros((NP, DH), jnp.float32)
    s2 = _sc_segment_sum(src3, dst3, x0, x1, z)
    return _tc_matmul(s2, W.T)

# --- scband reference (transcript-rebuilt; emitter-appended) ---
"""Pipeline reference for scband-graph-conv-41326175322765 (READ-ONLY COPY).

The authoritative reference and input builder live on the scoring server;
editing this copy changes nothing except your own understanding.
"""

import jax, jax.numpy as jnp
import numpy as np

N = 10000
E = 160000
D_IN = 256
D_OUT = 256


def setup_inputs(seed: int = 0) -> dict:
    key = jax.random.key(seed)
    k1, k2, k3 = jax.random.split(key, 3)
    edge_index = jax.random.randint(k1, (2, E), 0, N, dtype=jnp.int64 if jax.config.jax_enable_x64 else jnp.int32).astype(jnp.int32)
    X = jax.random.normal(k2, (N, D_IN), dtype=jnp.float32)
    bound = float(np.sqrt(6.0 / float(D_IN + D_OUT)))
    W = jax.random.uniform(k3, (D_OUT, D_IN), minval=-bound, maxval=bound, dtype=jnp.float32)
    return {"edge_index": edge_index, "X": X, "W": W}


def reference(edge_index, X, W):
    # A is an NxN sparse COO adjacency with ones at (dst, src) positions given by
    # edge_index; torch.sparse.mm(A, X) == scatter-add of gathered rows X[src] into dst.
    src = edge_index[0]
    dst = edge_index[1]
    msgs = jnp.take(X, src, axis=0)                      # gather  [E, D_IN]
    S = jax.ops.segment_sum(msgs, dst, num_segments=N)   # scatter-add [N, D_IN]
    out = S @ W.T                                        # dense matmul [N, D_OUT]
    return out

if __name__ == "__main__":
    import jax
    _d = setup_inputs()
    print(jax.jit(kernel)(*tuple(_d.values())))

</pallas_src>

<mosaic_0001>
#map = affine_map<(d0, d1) -> (0, 0, 0, 0)>
#map1 = affine_map<(d0, d1) -> (0, 0)>
#map2 = affine_map<(d0, d1) -> (0, 0, 0)>
module attributes {stable_mosaic.version = 14 : i64} {
  func.func @sc_seg(%arg0: i32, %arg1: i32, %arg2: memref<16x2x42x120xi32, #tpu.memory_space<hbm>>, %arg3: memref<16x2x42x120xi32, #tpu.memory_space<hbm>>, %arg4: memref<10000x128xf32, #tpu.memory_space<hbm>>, %arg5: memref<10000x128xf32, #tpu.memory_space<hbm>>, %arg6: memref<10240x128xf32, #tpu.memory_space<hbm>>, %arg7: memref<2x10240x128xf32, #tpu.memory_space<hbm>>, %arg8: memref<42x120xi32, #tpu.memory_space<vmem>>, %arg9: memref<42x120xi32, #tpu.memory_space<vmem>>, %arg10: memref<120x128xf32, #tpu.memory_space<vmem>>, %arg11: memref<120x128xf32, #tpu.memory_space<vmem>>, %arg12: memref<10240x128xf32, #tpu.memory_space<vmem_shared>>, %arg13: memref<!tpu.dma_semaphore, #tpu.memory_space<semaphore_mem>>, %arg14: memref<!tpu.dma_semaphore, #tpu.memory_space<semaphore_mem>>) attributes {dimension_semantics = [#tpu.dimension_semantics<core_parallel>, #tpu.dimension_semantics<subcore_parallel>], iteration_bounds = array<i64: 2, 16>, scalar_prefetch = 0 : i64, scratch_operands = 7 : i64, tpu.core_type = #tpu.core_type<sc_vector_subcore>, window_params = [{transform_indices = #map}, {transform_indices = #map}, {transform_indices = #map1}, {transform_indices = #map1}, {transform_indices = #map1}, {transform_indices = #map2}]} {
    %mul3A = arith.constant 640 : i32
    %mul3A_0 = arith.muli %arg1, %mul3A : i32
    %dma_start3A = arith.constant 0 : i32
    %dma_start3A_1 = tpu.memref_slice %arg12[%mul3A_0, %dma_start3A] : memref<10240x128xf32, #tpu.memory_space<vmem_shared>> -> memref<640x128xf32, #tpu.memory_space<vmem_shared>>
    %dma_start3A_2 = arith.constant 0 : i32
    %dma_start3A_3 = tpu.memref_slice %arg6[%mul3A_0, %dma_start3A_2] : memref<10240x128xf32, #tpu.memory_space<hbm>> -> memref<640x128xf32, #tpu.memory_space<hbm>>
    tpu.enqueue_dma source(%dma_start3A_3 : memref<640x128xf32, #tpu.memory_space<hbm>>) target(%dma_start3A_1 : memref<640x128xf32, #tpu.memory_space<vmem_shared>>) target_semaphore(%arg13 : memref<!tpu.dma_semaphore, #tpu.memory_space<semaphore_mem>>)
    %dma_wait3A = arith.constant 0 : i32
    %dma_wait3A_4 = tpu.memref_slice %arg12[%mul3A_0, %dma_wait3A] : memref<10240x128xf32, #tpu.memory_space<vmem_shared>> -> memref<640x128xf32, #tpu.memory_space<vmem_shared>>
    %dma_wait3A_5 = arith.constant 0 : i32
    %dma_wait3A_6 = tpu.memref_slice %arg6[%mul3A_0, %dma_wait3A_5] : memref<10240x128xf32, #tpu.memory_space<hbm>> -> memref<640x128xf32, #tpu.memory_space<hbm>>
    tpu.wait_dma2 semaphore(%arg13 : memref<!tpu.dma_semaphore, #tpu.memory_space<semaphore_mem>>) src(%dma_wait3A_6 : memref<640x128xf32, #tpu.memory_space<hbm>>) dst(%dma_wait3A_4 : memref<640x128xf32, #tpu.memory_space<vmem_shared>>)
    %barrier3A = arith.constant 0 : index
    tpu.barrier barrier_id(%barrier3A)
    %eq3A = arith.constant 0 : i32
    %eq3A_7 = arith.cmpi eq, %arg0, %eq3A : i32
    %convert_element_type3A = arith.extui %eq3A_7 : i1 to i32
    %cond3A = arith.constant 0 : i32
    %cond3A_8 = arith.cmpi ne, %convert_element_type3A, %cond3A : i32
    scf.if %cond3A_8 {
      %scan3A = arith.constant 0 : i32
      %scan3A_25 = arith.constant 2 : i32
      %scan3A_26 = arith.addi %scan3A, %scan3A_25 : i32
      %scan3A_27 = arith.constant 1 : i32
      scf.for %scan3A_29 = %scan3A to %scan3A_26 step %scan3A_27  : i32 {
        %mul3A_30 = arith.constant 1 : i32
        %mul3A_31 = arith.muli %scan3A_29, %mul3A_30 : i32
        %add3A = arith.constant 0 : i32
        %add3A_32 = arith.addi %add3A, %mul3A_31 : i32
        %dma_start3A_33 = arith.constant 0 : i32
        %dma_start3A_34 = arith.constant 0 : i32
        %dma_start3A_35 = tpu.memref_slice %arg2[%arg1, %add3A_32, %dma_start3A_33, %dma_start3A_34] : memref<16x2x42x120xi32, #tpu.memory_space<hbm>> -> memref<1x1x42x120xi32, #tpu.memory_space<hbm>>
        %dma_start3A_36 = tpu.memref_squeeze %dma_start3A_35 : memref<1x1x42x120xi32, #tpu.memory_space<hbm>> -> memref<42x120xi32, #tpu.memory_space<hbm>>
        %dma_start3A_37 = arith.constant 0 : i32
        %dma_start3A_38 = arith.constant 0 : i32
        %dma_start3A_39 = tpu.memref_slice %arg2[%arg1, %add3A_32, %dma_start3A_37, %dma_start3A_38] : memref<16x2x42x120xi32, #tpu.memory_space<hbm>> -> memref<1x1x42x120xi32, #tpu.memory_space<hbm>>
        %dma_start3A_40 = tpu.memref_squeeze %dma_start3A_39 : memref<1x1x42x120xi32, #tpu.memory_space<hbm>> -> memref<42x120xi32, #tpu.memory_space<hbm>>
        tpu.enqueue_dma source(%dma_start3A_40 : memref<42x120xi32, #tpu.memory_space<hbm>>) target(%arg8 : memref<42x120xi32, #tpu.memory_space<vmem>>) target_semaphore(%arg13 : memref<!tpu.dma_semaphore, #tpu.memory_space<semaphore_mem>>)
        %dma_wait3A_41 = arith.constant 0 : i32
        %dma_wait3A_42 = arith.constant 0 : i32
        %dma_wait3A_43 = tpu.memref_slice %arg2[%arg1, %add3A_32, %dma_wait3A_41, %dma_wait3A_42] : memref<16x2x42x120xi32, #tpu.memory_space<hbm>> -> memref<1x1x42x120xi32, #tpu.memory_space<hbm>>
        %dma_wait3A_44 = tpu.memref_squeeze %dma_wait3A_43 : memref<1x1x42x120xi32, #tpu.memory_space<hbm>> -> memref<42x120xi32, #tpu.memory_space<hbm>>
        %dma_wait3A_45 = arith.constant 0 : i32
        %dma_wait3A_46 = arith.constant 0 : i32
        %dma_wait3A_47 = tpu.memref_slice %arg2[%arg1, %add3A_32, %dma_wait3A_45, %dma_wait3A_46] : memref<16x2x42x120xi32, #tpu.memory_space<hbm>> -> memref<1x1x42x120xi32, #tpu.memory_space<hbm>>
        %dma_wait3A_48 = tpu.memref_squeeze %dma_wait3A_47 : memref<1x1x42x120xi32, #tpu.memory_space<hbm>> -> memref<42x120xi32, #tpu.memory_space<hbm>>
        tpu.wait_dma2 semaphore(%arg13 : memref<!tpu.dma_semaphore, #tpu.memory_space<semaphore_mem>>) src(%dma_wait3A_48 : memref<42x120xi32, #tpu.memory_space<hbm>>) dst(%arg8 : memref<42x120xi32, #tpu.memory_space<vmem>>)
        %dma_start3A_49 = arith.constant 0 : i32
        %dma_start3A_50 = arith.constant 0 : i32
        %dma_start3A_51 = tpu.memref_slice %arg3[%arg1, %add3A_32, %dma_start3A_49, %dma_start3A_50] : memref<16x2x42x120xi32, #tpu.memory_space<hbm>> -> memref<1x1x42x120xi32, #tpu.memory_space<hbm>>
        %dma_start3A_52 = tpu.memref_squeeze %dma_start3A_51 : memref<1x1x42x120xi32, #tpu.memory_space<hbm>> -> memref<42x120xi32, #tpu.memory_space<hbm>>
        %dma_start3A_53 = arith.constant 0 : i32
        %dma_start3A_54 = arith.constant 0 : i32
        %dma_start3A_55 = tpu.memref_slice %arg3[%arg1, %add3A_32, %dma_start3A_53, %dma_start3A_54] : memref<16x2x42x120xi32, #tpu.memory_space<hbm>> -> memref<1x1x42x120xi32, #tpu.memory_space<hbm>>
        %dma_start3A_56 = tpu.memref_squeeze %dma_start3A_55 : memref<1x1x42x120xi32, #tpu.memory_space<hbm>> -> memref<42x120xi32, #tpu.memory_space<hbm>>
        tpu.enqueue_dma source(%dma_start3A_56 : memref<42x120xi32, #tpu.memory_space<hbm>>) target(%arg9 : memref<42x120xi32, #tpu.memory_space<vmem>>) target_semaphore(%arg14 : memref<!tpu.dma_semaphore, #tpu.memory_space<semaphore_mem>>)
        %dma_wait3A_57 = arith.constant 0 : i32
        %dma_wait3A_58 = arith.constant 0 : i32
        %dma_wait3A_59 = tpu.memref_slice %arg3[%arg1, %add3A_32, %dma_wait3A_57, %dma_wait3A_58] : memref<16x2x42x120xi32, #tpu.memory_space<hbm>> -> memref<1x1x42x120xi32, #tpu.memory_space<hbm>>
        %dma_wait3A_60 = tpu.memref_squeeze %dma_wait3A_59 : memref<1x1x42x120xi32, #tpu.memory_space<hbm>> -> memref<42x120xi32, #tpu.memory_space<hbm>>
        %dma_wait3A_61 = arith.constant 0 : i32
        %dma_wait3A_62 = arith.constant 0 : i32
        %dma_wait3A_63 = tpu.memref_slice %arg3[%arg1, %add3A_32, %dma_wait3A_61, %dma_wait3A_62] : memref<16x2x42x120xi32, #tpu.memory_space<hbm>> -> memref<1x1x42x120xi32, #tpu.memory_space<hbm>>
        %dma_wait3A_64 = tpu.memref_squeeze %dma_wait3A_63 : memref<1x1x42x120xi32, #tpu.memory_space<hbm>> -> memref<42x120xi32, #tpu.memory_space<hbm>>
        tpu.wait_dma2 semaphore(%arg14 : memref<!tpu.dma_semaphore, #tpu.memory_space<semaphore_mem>>) src(%dma_wait3A_64 : memref<42x120xi32, #tpu.memory_space<hbm>>) dst(%arg9 : memref<42x120xi32, #tpu.memory_space<vmem>>)
        %dma_start3A_65 = arith.constant 0 : i32
        %dma_start3A_66 = arith.constant 0 : i32
        %dma_start3A_67 = tpu.memref_slice %arg8[%dma_start3A_65, %dma_start3A_66] : memref<42x120xi32, #tpu.memory_space<vmem>> -> memref<1x120xi32, #tpu.memory_space<vmem>>
        %dma_start3A_68 = tpu.memref_squeeze %dma_start3A_67 : memref<1x120xi32, #tpu.memory_space<vmem>> -> memref<120xi32, #tpu.memory_space<vmem>>
        %dma_start3A_69 = arith.constant 0 : i32
        %dma_start3A_70 = arith.constant 0 : i32
        %dma_start3A_71 = tpu.memref_slice %arg4[%dma_start3A_69, %dma_start3A_70] : memref<10000x128xf32, #tpu.memory_space<hbm>> -> memref<10000x128xf32, #tpu.memory_space<hbm>>
        tpu.enqueue_indirect_dma source(%dma_start3A_71 : memref<10000x128xf32, #tpu.memory_space<hbm>>) target(%arg10 : memref<120x128xf32, #tpu.memory_space<vmem>>) offsets(%dma_start3A_68 : memref<120xi32, #tpu.memory_space<vmem>>) semaphore(%arg13 : memref<!tpu.dma_semaphore, #tpu.memory_space<semaphore_mem>>)
        %scan3A_72 = arith.constant 0 : i32
        %scan3A_73 = arith.constant 20 : i32
        %scan3A_74 = arith.addi %scan3A_72, %scan3A_73 : i32
        %scan3A_75 = arith.constant 1 : i32
        scf.for %scan3A_99 = %scan3A_72 to %scan3A_74 step %scan3A_75  : i32 {
          %mul3A_100 = arith.constant 2 : i32
          %mul3A_101 = arith.muli %scan3A_99, %mul3A_100 : i32
          %add3A_102 = arith.constant 0 : i32
          %add3A_103 = arith.addi %add3A_102, %mul3A_101 : i32
          %dma_wait3A_104 = arith.constant 0 : i32
          %dma_wait3A_105 = tpu.memref_slice %arg8[%add3A_103, %dma_wait3A_104] : memref<42x120xi32, #tpu.memory_space<vmem>> -> memref<1x120xi32, #tpu.memory_space<vmem>>
          %dma_wait3A_106 = tpu.memref_squeeze %dma_wait3A_105 : memref<1x120xi32, #tpu.memory_space<vmem>> -> memref<120xi32, #tpu.memory_space<vmem>>
          %dma_wait3A_107 = arith.constant 0 : i32
          %dma_wait3A_108 = arith.constant 0 : i32
          %dma_wait3A_109 = tpu.memref_slice %arg4[%dma_wait3A_107, %dma_wait3A_108] : memref<10000x128xf32, #tpu.memory_space<hbm>> -> memref<10000x128xf32, #tpu.memory_space<hbm>>
          tpu.wait_indirect_dma semaphore(%arg13 : memref<!tpu.dma_semaphore, #tpu.memory_space<semaphore_mem>>) src(%dma_wait3A_109 : memref<10000x128xf32, #tpu.memory_space<hbm>>) dst(%arg10 : memref<120x128xf32, #tpu.memory_space<vmem>>)
          %add3A_110 = arith.constant 1 : i32
          %add3A_111 = arith.addi %add3A_103, %add3A_110 : i32
          %dma_start3A_112 = arith.constant 0 : i32
          %dma_start3A_113 = tpu.memref_slice %arg8[%add3A_111, %dma_start3A_112] : memref<42x120xi32, #tpu.memory_space<vmem>> -> memref<1x120xi32, #tpu.memory_space<vmem>>
          %dma_start3A_114 = tpu.memref_squeeze %dma_start3A_113 : memref<1x120xi32, #tpu.memory_space<vmem>> -> memref<120xi32, #tpu.memory_space<vmem>>
          %dma_start3A_115 = arith.constant 0 : i32
          %dma_start3A_116 = arith.constant 0 : i32
          %dma_start3A_117 = tpu.memref_slice %arg4[%dma_start3A_115, %dma_start3A_116] : memref<10000x128xf32, #tpu.memory_space<hbm>> -> memref<10000x128xf32, #tpu.memory_space<hbm>>
          tpu.enqueue_indirect_dma source(%dma_start3A_117 : memref<10000x128xf32, #tpu.memory_space<hbm>>) target(%arg11 : memref<120x128xf32, #tpu.memory_space<vmem>>) offsets(%dma_start3A_114 : memref<120xi32, #tpu.memory_space<vmem>>) semaphore(%arg14 : memref<!tpu.dma_semaphore, #tpu.memory_space<semaphore_mem>>)
          "tpu.region"() ({
            %run_scoped3A_136 = tpu.sem_alloc : memref<!tpu.dma_semaphore, #tpu.memory_space<semaphore_mem>>
            %dma_start3A_137 = arith.constant 0 : i32
            %dma_start3A_138 = tpu.memref_slice %arg9[%add3A_103, %dma_start3A_137] : memref<42x120xi32, #tpu.memory_space<vmem>> -> memref<1x120xi32, #tpu.memory_space<vmem>>
            %dma_start3A_139 = tpu.memref_squeeze %dma_start3A_138 : memref<1x120xi32, #tpu.memory_space<vmem>> -> memref<120xi32, #tpu.memory_space<vmem>>
            %dma_start3A_140 = arith.constant 0 : i32
            %dma_start3A_141 = arith.constant 0 : i32
            %dma_start3A_142 = tpu.memref_slice %arg12[%dma_start3A_140, %dma_start3A_141] : memref<10240x128xf32, #tpu.memory_space<vmem_shared>> -> memref<10240x128xf32, #tpu.memory_space<vmem_shared>>
            tpu.enqueue_indirect_dma source(%arg10 : memref<120x128xf32, #tpu.memory_space<vmem>>) target(%dma_start3A_142 : memref<10240x128xf32, #tpu.memory_space<vmem_shared>>) offsets(%dma_start3A_139 : memref<120xi32, #tpu.memory_space<vmem>>) semaphore(%run_scoped3A_136 : memref<!tpu.dma_semaphore, #tpu.memory_space<semaphore_mem>>) {add = true}
            %dma_wait3A_143 = arith.constant 0 : i32
            %dma_wait3A_144 = tpu.memref_slice %arg9[%add3A_103, %dma_wait3A_143] : memref<42x120xi32, #tpu.memory_space<vmem>> -> memref<1x120xi32, #tpu.memory_space<vmem>>
            %dma_wait3A_145 = tpu.memref_squeeze %dma_wait3A_144 : memref<1x120xi32, #tpu.memory_space<vmem>> -> memref<120xi32, #tpu.memory_space<vmem>>
            %dma_wait3A_146 = arith.constant 0 : i32
            %dma_wait3A_147 = arith.constant 0 : i32
            %dma_wait3A_148 = tpu.memref_slice %arg12[%dma_wait3A_146, %dma_wait3A_147] : memref<10240x128xf32, #tpu.memory_space<vmem_shared>> -> memref<10240x128xf32, #tpu.memory_space<vmem_shared>>
            tpu.wait_indirect_dma semaphore(%run_scoped3A_136 : memref<!tpu.dma_semaphore, #tpu.memory_space<semaphore_mem>>) src(%arg10 : memref<120x128xf32, #tpu.memory_space<vmem>>) dst(%dma_wait3A_148 : memref<10240x128xf32, #tpu.memory_space<vmem_shared>>)
            tpu.yield
          }) : () -> ()
          %add3A_118 = arith.constant 1 : i32
          %add3A_119 = arith.addi %add3A_103, %add3A_118 : i32
          %dma_wait3A_120 = arith.constant 0 : i32
          %dma_wait3A_121 = tpu.memref_slice %arg8[%add3A_119, %dma_wait3A_120] : memref<42x120xi32, #tpu.memory_space<vmem>> -> memref<1x120xi32, #tpu.memory_space<vmem>>
          %dma_wait3A_122 = tpu.memref_squeeze %dma_wait3A_121 : memref<1x120xi32, #tpu.memory_space<vmem>> -> memref<120xi32, #tpu.memory_space<vmem>>
          %dma_wait3A_123 = arith.constant 0 : i32
          %dma_wait3A_124 = arith.constant 0 : i32
          %dma_wait3A_125 = tpu.memref_slice %arg4[%dma_wait3A_123, %dma_wait3A_124] : memref<10000x128xf32, #tpu.memory_space<hbm>> -> memref<10000x128xf32, #tpu.memory_space<hbm>>
          tpu.wait_indirect_dma semaphore(%arg14 : memref<!tpu.dma_semaphore, #tpu.memory_space<semaphore_mem>>) src(%dma_wait3A_125 : memref<10000x128xf32, #tpu.memory_space<hbm>>) dst(%arg11 : memref<120x128xf32, #tpu.memory_space<vmem>>)
          %add3A_126 = arith.constant 2 : i32
          %add3A_127 = arith.addi %add3A_103, %add3A_126 : i32
          %dma_start3A_128 = arith.constant 0 : i32
          %dma_start3A_129 = tpu.memref_slice %arg8[%add3A_127, %dma_start3A_128] : memref<42x120xi32, #tpu.memory_space<vmem>> -> memref<1x120xi32, #tpu.memory_space<vmem>>
          %dma_start3A_130 = tpu.memref_squeeze %dma_start3A_129 : memref<1x120xi32, #tpu.memory_space<vmem>> -> memref<120xi32, #tpu.memory_space<vmem>>
          %dma_start3A_131 = arith.constant 0 : i32
          %dma_start3A_132 = arith.constant 0 : i32
          %dma_start3A_133 = tpu.memref_slice %arg4[%dma_start3A_131, %dma_start3A_132] : memref<10000x128xf32, #tpu.memory_space<hbm>> -> memref<10000x128xf32, #tpu.memory_space<hbm>>
          tpu.enqueue_indirect_dma source(%dma_start3A_133 : memref<10000x128xf32, #tpu.memory_space<hbm>>) target(%arg10 : memref<120x128xf32, #tpu.memory_space<vmem>>) offsets(%dma_start3A_130 : memref<120xi32, #tpu.memory_space<vmem>>) semaphore(%arg13 : memref<!tpu.dma_semaphore, #tpu.memory_space<semaphore_mem>>)
          %add3A_134 = arith.constant 1 : i32
          %add3A_135 = arith.addi %add3A_103, %add3A_134 : i32
          "tpu.region"() ({
            %run_scoped3A_136 = tpu.sem_alloc : memref<!tpu.dma_semaphore, #tpu.memory_space<semaphore_mem>>
            %dma_start3A_137 = arith.constant 0 : i32
            %dma_start3A_138 = tpu.memref_slice %arg9[%add3A_135, %dma_start3A_137] : memref<42x120xi32, #tpu.memory_space<vmem>> -> memref<1x120xi32, #tpu.memory_space<vmem>>
            %dma_start3A_139 = tpu.memref_squeeze %dma_start3A_138 : memref<1x120xi32, #tpu.memory_space<vmem>> -> memref<120xi32, #tpu.memory_space<vmem>>
            %dma_start3A_140 = arith.constant 0 : i32
            %dma_start3A_141 = arith.constant 0 : i32
            %dma_start3A_142 = tpu.memref_slice %arg12[%dma_start3A_140, %dma_start3A_141] : memref<10240x128xf32, #tpu.memory_space<vmem_shared>> -> memref<10240x128xf32, #tpu.memory_space<vmem_shared>>
            tpu.enqueue_indirect_dma source(%arg11 : memref<120x128xf32, #tpu.memory_space<vmem>>) target(%dma_start3A_142 : memref<10240x128xf32, #tpu.memory_space<vmem_shared>>) offsets(%dma_start3A_139 : memref<120xi32, #tpu.memory_space<vmem>>) semaphore(%run_scoped3A_136 : memref<!tpu.dma_semaphore, #tpu.memory_space<semaphore_mem>>) {add = true}
            %dma_wait3A_143 = arith.constant 0 : i32
            %dma_wait3A_144 = tpu.memref_slice %arg9[%add3A_135, %dma_wait3A_143] : memref<42x120xi32, #tpu.memory_space<vmem>> -> memref<1x120xi32, #tpu.memory_space<vmem>>
            %dma_wait3A_145 = tpu.memref_squeeze %dma_wait3A_144 : memref<1x120xi32, #tpu.memory_space<vmem>> -> memref<120xi32, #tpu.memory_space<vmem>>
            %dma_wait3A_146 = arith.constant 0 : i32
            %dma_wait3A_147 = arith.constant 0 : i32
            %dma_wait3A_148 = tpu.memref_slice %arg12[%dma_wait3A_146, %dma_wait3A_147] : memref<10240x128xf32, #tpu.memory_space<vmem_shared>> -> memref<10240x128xf32, #tpu.memory_space<vmem_shared>>
            tpu.wait_indirect_dma semaphore(%run_scoped3A_136 : memref<!tpu.dma_semaphore, #tpu.memory_space<semaphore_mem>>) src(%arg11 : memref<120x128xf32, #tpu.memory_space<vmem>>) dst(%dma_wait3A_148 : memref<10240x128xf32, #tpu.memory_space<vmem_shared>>)
            tpu.yield
          }) : () -> ()
        }
        %scan3A_76 = arith.constant 20 : i32
        %dma_wait3A_77 = arith.constant 40 : i32
        %dma_wait3A_78 = arith.constant 0 : i32
        %dma_wait3A_79 = tpu.memref_slice %arg8[%dma_wait3A_77, %dma_wait3A_78] : memref<42x120xi32, #tpu.memory_space<vmem>> -> memref<1x120xi32, #tpu.memory_space<vmem>>
        %dma_wait3A_80 = tpu.memref_squeeze %dma_wait3A_79 : memref<1x120xi32, #tpu.memory_space<vmem>> -> memref<120xi32, #tpu.memory_space<vmem>>
        %dma_wait3A_81 = arith.constant 0 : i32
        %dma_wait3A_82 = arith.constant 0 : i32
        %dma_wait3A_83 = tpu.memref_slice %arg4[%dma_wait3A_81, %dma_wait3A_82] : memref<10000x128xf32, #tpu.memory_space<hbm>> -> memref<10000x128xf32, #tpu.memory_space<hbm>>
        tpu.wait_indirect_dma semaphore(%arg13 : memref<!tpu.dma_semaphore, #tpu.memory_space<semaphore_mem>>) src(%dma_wait3A_83 : memref<10000x128xf32, #tpu.memory_space<hbm>>) dst(%arg10 : memref<120x128xf32, #tpu.memory_space<vmem>>)
        %dma_start3A_84 = arith.constant 41 : i32
        %dma_start3A_85 = arith.constant 0 : i32
        %dma_start3A_86 = tpu.memref_slice %arg8[%dma_start3A_84, %dma_start3A_85] : memref<42x120xi32, #tpu.memory_space<vmem>> -> memref<1x120xi32, #tpu.memory_space<vmem>>
        %dma_start3A_87 = tpu.memref_squeeze %dma_start3A_86 : memref<1x120xi32, #tpu.memory_space<vmem>> -> memref<120xi32, #tpu.memory_space<vmem>>
        %dma_start3A_88 = arith.constant 0 : i32
        %dma_start3A_89 = arith.constant 0 : i32
        %dma_start3A_90 = tpu.memref_slice %arg4[%dma_start3A_88, %dma_start3A_89] : memref<10000x128xf32, #tpu.memory_space<hbm>> -> memref<10000x128xf32, #tpu.memory_space<hbm>>
        tpu.enqueue_indirect_dma source(%dma_start3A_90 : memref<10000x128xf32, #tpu.memory_space<hbm>>) target(%arg11 : memref<120x128xf32, #tpu.memory_space<vmem>>) offsets(%dma_start3A_87 : memref<120xi32, #tpu.memory_space<vmem>>) semaphore(%arg14 : memref<!tpu.dma_semaphore, #tpu.memory_space<semaphore_mem>>)
        %run_scoped3A = arith.constant 40 : i32
        "tpu.region"() ({
          %run_scoped3A_99 = tpu.sem_alloc : memref<!tpu.dma_semaphore, #tpu.memory_space<semaphore_mem>>
          %dma_start3A_100 = arith.constant 0 : i32
          %dma_start3A_101 = tpu.memref_slice %arg9[%run_scoped3A, %dma_start3A_100] : memref<42x120xi32, #tpu.memory_space<vmem>> -> memref<1x120xi32, #tpu.memory_space<vmem>>
          %dma_start3A_102 = tpu.memref_squeeze %dma_start3A_101 : memref<1x120xi32, #tpu.memory_space<vmem>> -> memref<120xi32, #tpu.memory_space<vmem>>
          %dma_start3A_103 = arith.constant 0 : i32
          %dma_start3A_104 = arith.constant 0 : i32
          %dma_start3A_105 = tpu.memref_slice %arg12[%dma_start3A_103, %dma_start3A_104] : memref<10240x128xf32, #tpu.memory_space<vmem_shared>> -> memref<10240x128xf32, #tpu.memory_space<vmem_shared>>
          tpu.enqueue_indirect_dma source(%arg10 : memref<120x128xf32, #tpu.memory_space<vmem>>) target(%dma_start3A_105 : memref<10240x128xf32, #tpu.memory_space<vmem_shared>>) offsets(%dma_start3A_102 : memref<120xi32, #tpu.memory_space<vmem>>) semaphore(%run_scoped3A_99 : memref<!tpu.dma_semaphore, #tpu.memory_space<semaphore_mem>>) {add = true}
          %dma_wait3A_106 = arith.constant 0 : i32
          %dma_wait3A_107 = tpu.memref_slice %arg9[%run_scoped3A, %dma_wait3A_106] : memref<42x120xi32, #tpu.memory_space<vmem>> -> memref<1x120xi32, #tpu.memory_space<vmem>>
          %dma_wait3A_108 = tpu.memref_squeeze %dma_wait3A_107 : memref<1x120xi32, #tpu.memory_space<vmem>> -> memref<120xi32, #tpu.memory_space<vmem>>
          %dma_wait3A_109 = arith.constant 0 : i32
          %dma_wait3A_110 = arith.constant 0 : i32
          %dma_wait3A_111 = tpu.memref_slice %arg12[%dma_wait3A_109, %dma_wait3A_110] : memref<10240x128xf32, #tpu.memory_space<vmem_shared>> -> memref<10240x128xf32, #tpu.memory_space<vmem_shared>>
          tpu.wait_indirect_dma semaphore(%run_scoped3A_99 : memref<!tpu.dma_semaphore, #tpu.memory_space<semaphore_mem>>) src(%arg10 : memref<120x128xf32, #tpu.memory_space<vmem>>) dst(%dma_wait3A_111 : memref<10240x128xf32, #tpu.memory_space<vmem_shared>>)
          tpu.yield
        }) : () -> ()
        %dma_wait3A_91 = arith.constant 41 : i32
        %dma_wait3A_92 = arith.constant 0 : i32
        %dma_wait3A_93 = tpu.memref_slice %arg8[%dma_wait3A_91, %dma_wait3A_92] : memref<42x120xi32, #tpu.memory_space<vmem>> -> memref<1x120xi32, #tpu.memory_space<vmem>>
        %dma_wait3A_94 = tpu.memref_squeeze %dma_wait3A_93 : memref<1x120xi32, #tpu.memory_space<vmem>> -> memref<120xi32, #tpu.memory_space<vmem>>
        %dma_wait3A_95 = arith.constant 0 : i32
        %dma_wait3A_96 = arith.constant 0 : i32
        %dma_wait3A_97 = tpu.memref_slice %arg4[%dma_wait3A_95, %dma_wait3A_96] : memref<10000x128xf32, #tpu.memory_space<hbm>> -> memref<10000x128xf32, #tpu.memory_space<hbm>>
        tpu.wait_indirect_dma semaphore(%arg14 : memref<!tpu.dma_semaphore, #tpu.memory_space<semaphore_mem>>) src(%dma_wait3A_97 : memref<10000x128xf32, #tpu.memory_space<hbm>>) dst(%arg11 : memref<120x128xf32, #tpu.memory_space<vmem>>)
        %run_scoped3A_98 = arith.constant 41 : i32
        "tpu.region"() ({
          %run_scoped3A_99 = tpu.sem_alloc : memref<!tpu.dma_semaphore, #tpu.memory_space<semaphore_mem>>
          %dma_start3A_100 = arith.constant 0 : i32
          %dma_start3A_101 = tpu.memref_slice %arg9[%run_scoped3A_98, %dma_start3A_100] : memref<42x120xi32, #tpu.memory_space<vmem>> -> memref<1x120xi32, #tpu.memory_space<vmem>>
          %dma_start3A_102 = tpu.memref_squeeze %dma_start3A_101 : memref<1x120xi32, #tpu.memory_space<vmem>> -> memref<120xi32, #tpu.memory_space<vmem>>
          %dma_start3A_103 = arith.constant 0 : i32
          %dma_start3A_104 = arith.constant 0 : i32
          %dma_start3A_105 = tpu.memref_slice %arg12[%dma_start3A_103, %dma_start3A_104] : memref<10240x128xf32, #tpu.memory_space<vmem_shared>> -> memref<10240x128xf32, #tpu.memory_space<vmem_shared>>
          tpu.enqueue_indirect_dma source(%arg11 : memref<120x128xf32, #tpu.memory_space<vmem>>) target(%dma_start3A_105 : memref<10240x128xf32, #tpu.memory_space<vmem_shared>>) offsets(%dma_start3A_102 : memref<120xi32, #tpu.memory_space<vmem>>) semaphore(%run_scoped3A_99 : memref<!tpu.dma_semaphore, #tpu.memory_space<semaphore_mem>>) {add = true}
          %dma_wait3A_106 = arith.constant 0 : i32
          %dma_wait3A_107 = tpu.memref_slice %arg9[%run_scoped3A_98, %dma_wait3A_106] : memref<42x120xi32, #tpu.memory_space<vmem>> -> memref<1x120xi32, #tpu.memory_space<vmem>>
          %dma_wait3A_108 = tpu.memref_squeeze %dma_wait3A_107 : memref<1x120xi32, #tpu.memory_space<vmem>> -> memref<120xi32, #tpu.memory_space<vmem>>
          %dma_wait3A_109 = arith.constant 0 : i32
          %dma_wait3A_110 = arith.constant 0 : i32
          %dma_wait3A_111 = tpu.memref_slice %arg12[%dma_wait3A_109, %dma_wait3A_110] : memref<10240x128xf32, #tpu.memory_space<vmem_shared>> -> memref<10240x128xf32, #tpu.memory_space<vmem_shared>>
          tpu.wait_indirect_dma semaphore(%run_scoped3A_99 : memref<!tpu.dma_semaphore, #tpu.memory_space<semaphore_mem>>) src(%arg11 : memref<120x128xf32, #tpu.memory_space<vmem>>) dst(%dma_wait3A_111 : memref<10240x128xf32, #tpu.memory_space<vmem_shared>>)
          tpu.yield
        }) : () -> ()
      }
      %scan3A_28 = arith.constant 2 : i32
    } else {
    }
    %eq3A_9 = arith.constant 1 : i32
    %eq3A_10 = arith.cmpi eq, %arg0, %eq3A_9 : i32
    %convert_element_type3A_11 = arith.extui %eq3A_10 : i1 to i32
    %cond3A_12 = arith.constant 0 : i32
    %cond3A_13 = arith.cmpi ne, %convert_element_type3A_11, %cond3A_12 : i32
    scf.if %cond3A_13 {
      %scan3A = arith.constant 0 : i32
      %scan3A_25 = arith.constant 2 : i32
      %scan3A_26 = arith.addi %scan3A, %scan3A_25 : i32
      %scan3A_27 = arith.constant 1 : i32
      scf.for %scan3A_29 = %scan3A to %scan3A_26 step %scan3A_27  : i32 {
        %mul3A_30 = arith.constant 1 : i32
        %mul3A_31 = arith.muli %scan3A_29, %mul3A_30 : i32
        %add3A = arith.constant 0 : i32
        %add3A_32 = arith.addi %add3A, %mul3A_31 : i32
        %dma_start3A_33 = arith.constant 0 : i32
        %dma_start3A_34 = arith.constant 0 : i32
        %dma_start3A_35 = tpu.memref_slice %arg2[%arg1, %add3A_32, %dma_start3A_33, %dma_start3A_34] : memref<16x2x42x120xi32, #tpu.memory_space<hbm>> -> memref<1x1x42x120xi32, #tpu.memory_space<hbm>>
        %dma_start3A_36 = tpu.memref_squeeze %dma_start3A_35 : memref<1x1x42x120xi32, #tpu.memory_space<hbm>> -> memref<42x120xi32, #tpu.memory_space<hbm>>
        %dma_start3A_37 = arith.constant 0 : i32
        %dma_start3A_38 = arith.constant 0 : i32
        %dma_start3A_39 = tpu.memref_slice %arg2[%arg1, %add3A_32, %dma_start3A_37, %dma_start3A_38] : memref<16x2x42x120xi32, #tpu.memory_space<hbm>> -> memref<1x1x42x120xi32, #tpu.memory_space<hbm>>
        %dma_start3A_40 = tpu.memref_squeeze %dma_start3A_39 : memref<1x1x42x120xi32, #tpu.memory_space<hbm>> -> memref<42x120xi32, #tpu.memory_space<hbm>>
        tpu.enqueue_dma source(%dma_start3A_40 : memref<42x120xi32, #tpu.memory_space<hbm>>) target(%arg8 : memref<42x120xi32, #tpu.memory_space<vmem>>) target_semaphore(%arg13 : memref<!tpu.dma_semaphore, #tpu.memory_space<semaphore_mem>>)
        %dma_wait3A_41 = arith.constant 0 : i32
        %dma_wait3A_42 = arith.constant 0 : i32
        %dma_wait3A_43 = tpu.memref_slice %arg2[%arg1, %add3A_32, %dma_wait3A_41, %dma_wait3A_42] : memref<16x2x42x120xi32, #tpu.memory_space<hbm>> -> memref<1x1x42x120xi32, #tpu.memory_space<hbm>>
        %dma_wait3A_44 = tpu.memref_squeeze %dma_wait3A_43 : memref<1x1x42x120xi32, #tpu.memory_space<hbm>> -> memref<42x120xi32, #tpu.memory_space<hbm>>
        %dma_wait3A_45 = arith.constant 0 : i32
        %dma_wait3A_46 = arith.constant 0 : i32
        %dma_wait3A_47 = tpu.memref_slice %arg2[%arg1, %add3A_32, %dma_wait3A_45, %dma_wait3A_46] : memref<16x2x42x120xi32, #tpu.memory_space<hbm>> -> memref<1x1x42x120xi32, #tpu.memory_space<hbm>>
        %dma_wait3A_48 = tpu.memref_squeeze %dma_wait3A_47 : memref<1x1x42x120xi32, #tpu.memory_space<hbm>> -> memref<42x120xi32, #tpu.memory_space<hbm>>
        tpu.wait_dma2 semaphore(%arg13 : memref<!tpu.dma_semaphore, #tpu.memory_space<semaphore_mem>>) src(%dma_wait3A_48 : memref<42x120xi32, #tpu.memory_space<hbm>>) dst(%arg8 : memref<42x120xi32, #tpu.memory_space<vmem>>)
        %dma_start3A_49 = arith.constant 0 : i32
        %dma_start3A_50 = arith.constant 0 : i32
        %dma_start3A_51 = tpu.memref_slice %arg3[%arg1, %add3A_32, %dma_start3A_49, %dma_start3A_50] : memref<16x2x42x120xi32, #tpu.memory_space<hbm>> -> memref<1x1x42x120xi32, #tpu.memory_space<hbm>>
        %dma_start3A_52 = tpu.memref_squeeze %dma_start3A_51 : memref<1x1x42x120xi32, #tpu.memory_space<hbm>> -> memref<42x120xi32, #tpu.memory_space<hbm>>
        %dma_start3A_53 = arith.constant 0 : i32
        %dma_start3A_54 = arith.constant 0 : i32
        %dma_start3A_55 = tpu.memref_slice %arg3[%arg1, %add3A_32, %dma_start3A_53, %dma_start3A_54] : memref<16x2x42x120xi32, #tpu.memory_space<hbm>> -> memref<1x1x42x120xi32, #tpu.memory_space<hbm>>
        %dma_start3A_56 = tpu.memref_squeeze %dma_start3A_55 : memref<1x1x42x120xi32, #tpu.memory_space<hbm>> -> memref<42x120xi32, #tpu.memory_space<hbm>>
        tpu.enqueue_dma source(%dma_start3A_56 : memref<42x120xi32, #tpu.memory_space<hbm>>) target(%arg9 : memref<42x120xi32, #tpu.memory_space<vmem>>) target_semaphore(%arg14 : memref<!tpu.dma_semaphore, #tpu.memory_space<semaphore_mem>>)
        %dma_wait3A_57 = arith.constant 0 : i32
        %dma_wait3A_58 = arith.constant 0 : i32
        %dma_wait3A_59 = tpu.memref_slice %arg3[%arg1, %add3A_32, %dma_wait3A_57, %dma_wait3A_58] : memref<16x2x42x120xi32, #tpu.memory_space<hbm>> -> memref<1x1x42x120xi32, #tpu.memory_space<hbm>>
        %dma_wait3A_60 = tpu.memref_squeeze %dma_wait3A_59 : memref<1x1x42x120xi32, #tpu.memory_space<hbm>> -> memref<42x120xi32, #tpu.memory_space<hbm>>
        %dma_wait3A_61 = arith.constant 0 : i32
        %dma_wait3A_62 = arith.constant 0 : i32
        %dma_wait3A_63 = tpu.memref_slice %arg3[%arg1, %add3A_32, %dma_wait3A_61, %dma_wait3A_62] : memref<16x2x42x120xi32, #tpu.memory_space<hbm>> -> memref<1x1x42x120xi32, #tpu.memory_space<hbm>>
        %dma_wait3A_64 = tpu.memref_squeeze %dma_wait3A_63 : memref<1x1x42x120xi32, #tpu.memory_space<hbm>> -> memref<42x120xi32, #tpu.memory_space<hbm>>
        tpu.wait_dma2 semaphore(%arg14 : memref<!tpu.dma_semaphore, #tpu.memory_space<semaphore_mem>>) src(%dma_wait3A_64 : memref<42x120xi32, #tpu.memory_space<hbm>>) dst(%arg9 : memref<42x120xi32, #tpu.memory_space<vmem>>)
        %dma_start3A_65 = arith.constant 0 : i32
        %dma_start3A_66 = arith.constant 0 : i32
        %dma_start3A_67 = tpu.memref_slice %arg8[%dma_start3A_65, %dma_start3A_66] : memref<42x120xi32, #tpu.memory_space<vmem>> -> memref<1x120xi32, #tpu.memory_space<vmem>>
        %dma_start3A_68 = tpu.memref_squeeze %dma_start3A_67 : memref<1x120xi32, #tpu.memory_space<vmem>> -> memref<120xi32, #tpu.memory_space<vmem>>
        %dma_start3A_69 = arith.constant 0 : i32
        %dma_start3A_70 = arith.constant 0 : i32
        %dma_start3A_71 = tpu.memref_slice %arg5[%dma_start3A_69, %dma_start3A_70] : memref<10000x128xf32, #tpu.memory_space<hbm>> -> memref<10000x128xf32, #tpu.memory_space<hbm>>
        tpu.enqueue_indirect_dma source(%dma_start3A_71 : memref<10000x128xf32, #tpu.memory_space<hbm>>) target(%arg10 : memref<120x128xf32, #tpu.memory_space<vmem>>) offsets(%dma_start3A_68 : memref<120xi32, #tpu.memory_space<vmem>>) semaphore(%arg13 : memref<!tpu.dma_semaphore, #tpu.memory_space<semaphore_mem>>)
        %scan3A_72 = arith.constant 0 : i32
        %scan3A_73 = arith.constant 20 : i32
        %scan3A_74 = arith.addi %scan3A_72, %scan3A_73 : i32
        %scan3A_75 = arith.constant 1 : i32
        scf.for %scan3A_99 = %scan3A_72 to %scan3A_74 step %scan3A_75  : i32 {
          %mul3A_100 = arith.constant 2 : i32
          %mul3A_101 = arith.muli %scan3A_99, %mul3A_100 : i32
          %add3A_102 = arith.constant 0 : i32
          %add3A_103 = arith.addi %add3A_102, %mul3A_101 : i32
          %dma_wait3A_104 = arith.constant 0 : i32
          %dma_wait3A_105 = tpu.memref_slice %arg8[%add3A_103, %dma_wait3A_104] : memref<42x120xi32, #tpu.memory_space<vmem>> -> memref<1x120xi32, #tpu.memory_space<vmem>>
          %dma_wait3A_106 = tpu.memref_squeeze %dma_wait3A_105 : memref<1x120xi32, #tpu.memory_space<vmem>> -> memref<120xi32, #tpu.memory_space<vmem>>
          %dma_wait3A_107 = arith.constant 0 : i32
          %dma_wait3A_108 = arith.constant 0 : i32
          %dma_wait3A_109 = tpu.memref_slice %arg5[%dma_wait3A_107, %dma_wait3A_108] : memref<10000x128xf32, #tpu.memory_space<hbm>> -> memref<10000x128xf32, #tpu.memory_space<hbm>>
          tpu.wait_indirect_dma semaphore(%arg13 : memref<!tpu.dma_semaphore, #tpu.memory_space<semaphore_mem>>) src(%dma_wait3A_109 : memref<10000x128xf32, #tpu.memory_space<hbm>>) dst(%arg10 : memref<120x128xf32, #tpu.memory_space<vmem>>)
          %add3A_110 = arith.constant 1 : i32
          %add3A_111 = arith.addi %add3A_103, %add3A_110 : i32
          %dma_start3A_112 = arith.constant 0 : i32
          %dma_start3A_113 = tpu.memref_slice %arg8[%add3A_111, %dma_start3A_112] : memref<42x120xi32, #tpu.memory_space<vmem>> -> memref<1x120xi32, #tpu.memory_space<vmem>>
          %dma_start3A_114 = tpu.memref_squeeze %dma_start3A_113 : memref<1x120xi32, #tpu.memory_space<vmem>> -> memref<120xi32, #tpu.memory_space<vmem>>
          %dma_start3A_115 = arith.constant 0 : i32
          %dma_start3A_116 = arith.constant 0 : i32
          %dma_start3A_117 = tpu.memref_slice %arg5[%dma_start3A_115, %dma_start3A_116] : memref<10000x128xf32, #tpu.memory_space<hbm>> -> memref<10000x128xf32, #tpu.memory_space<hbm>>
          tpu.enqueue_indirect_dma source(%dma_start3A_117 : memref<10000x128xf32, #tpu.memory_space<hbm>>) target(%arg11 : memref<120x128xf32, #tpu.memory_space<vmem>>) offsets(%dma_start3A_114 : memref<120xi32, #tpu.memory_space<vmem>>) semaphore(%arg14 : memref<!tpu.dma_semaphore, #tpu.memory_space<semaphore_mem>>)
          "tpu.region"() ({
            %run_scoped3A_136 = tpu.sem_alloc : memref<!tpu.dma_semaphore, #tpu.memory_space<semaphore_mem>>
            %dma_start3A_137 = arith.constant 0 : i32
            %dma_start3A_138 = tpu.memref_slice %arg9[%add3A_103, %dma_start3A_137] : memref<42x120xi32, #tpu.memory_space<vmem>> -> memref<1x120xi32, #tpu.memory_space<vmem>>
            %dma_start3A_139 = tpu.memref_squeeze %dma_start3A_138 : memref<1x120xi32, #tpu.memory_space<vmem>> -> memref<120xi32, #tpu.memory_space<vmem>>
            %dma_start3A_140 = arith.constant 0 : i32
            %dma_start3A_141 = arith.constant 0 : i32
            %dma_start3A_142 = tpu.memref_slice %arg12[%dma_start3A_140, %dma_start3A_141] : memref<10240x128xf32, #tpu.memory_space<vmem_shared>> -> memref<10240x128xf32, #tpu.memory_space<vmem_shared>>
            tpu.enqueue_indirect_dma source(%arg10 : memref<120x128xf32, #tpu.memory_space<vmem>>) target(%dma_start3A_142 : memref<10240x128xf32, #tpu.memory_space<vmem_shared>>) offsets(%dma_start3A_139 : memref<120xi32, #tpu.memory_space<vmem>>) semaphore(%run_scoped3A_136 : memref<!tpu.dma_semaphore, #tpu.memory_space<semaphore_mem>>) {add = true}
            %dma_wait3A_143 = arith.constant 0 : i32
            %dma_wait3A_144 = tpu.memref_slice %arg9[%add3A_103, %dma_wait3A_143] : memref<42x120xi32, #tpu.memory_space<vmem>> -> memref<1x120xi32, #tpu.memory_space<vmem>>
            %dma_wait3A_145 = tpu.memref_squeeze %dma_wait3A_144 : memref<1x120xi32, #tpu.memory_space<vmem>> -> memref<120xi32, #tpu.memory_space<vmem>>
            %dma_wait3A_146 = arith.constant 0 : i32
            %dma_wait3A_147 = arith.constant 0 : i32
            %dma_wait3A_148 = tpu.memref_slice %arg12[%dma_wait3A_146, %dma_wait3A_147] : memref<10240x128xf32, #tpu.memory_space<vmem_shared>> -> memref<10240x128xf32, #tpu.memory_space<vmem_shared>>
            tpu.wait_indirect_dma semaphore(%run_scoped3A_136 : memref<!tpu.dma_semaphore, #tpu.memory_space<semaphore_mem>>) src(%arg10 : memref<120x128xf32, #tpu.memory_space<vmem>>) dst(%dma_wait3A_148 : memref<10240x128xf32, #tpu.memory_space<vmem_shared>>)
            tpu.yield
          }) : () -> ()
          %add3A_118 = arith.constant 1 : i32
          %add3A_119 = arith.addi %add3A_103, %add3A_118 : i32
          %dma_wait3A_120 = arith.constant 0 : i32
          %dma_wait3A_121 = tpu.memref_slice %arg8[%add3A_119, %dma_wait3A_120] : memref<42x120xi32, #tpu.memory_space<vmem>> -> memref<1x120xi32, #tpu.memory_space<vmem>>
          %dma_wait3A_122 = tpu.memref_squeeze %dma_wait3A_121 : memref<1x120xi32, #tpu.memory_space<vmem>> -> memref<120xi32, #tpu.memory_space<vmem>>
          %dma_wait3A_123 = arith.constant 0 : i32
          %dma_wait3A_124 = arith.constant 0 : i32
          %dma_wait3A_125 = tpu.memref_slice %arg5[%dma_wait3A_123, %dma_wait3A_124] : memref<10000x128xf32, #tpu.memory_space<hbm>> -> memref<10000x128xf32, #tpu.memory_space<hbm>>
          tpu.wait_indirect_dma semaphore(%arg14 : memref<!tpu.dma_semaphore, #tpu.memory_space<semaphore_mem>>) src(%dma_wait3A_125 : memref<10000x128xf32, #tpu.memory_space<hbm>>) dst(%arg11 : memref<120x128xf32, #tpu.memory_space<vmem>>)
          %add3A_126 = arith.constant 2 : i32
          %add3A_127 = arith.addi %add3A_103, %add3A_126 : i32
          %dma_start3A_128 = arith.constant 0 : i32
          %dma_start3A_129 = tpu.memref_slice %arg8[%add3A_127, %dma_start3A_128] : memref<42x120xi32, #tpu.memory_space<vmem>> -> memref<1x120xi32, #tpu.memory_space<vmem>>
          %dma_start3A_130 = tpu.memref_squeeze %dma_start3A_129 : memref<1x120xi32, #tpu.memory_space<vmem>> -> memref<120xi32, #tpu.memory_space<vmem>>
          %dma_start3A_131 = arith.constant 0 : i32
          %dma_start3A_132 = arith.constant 0 : i32
          %dma_start3A_133 = tpu.memref_slice %arg5[%dma_start3A_131, %dma_start3A_132] : memref<10000x128xf32, #tpu.memory_space<hbm>> -> memref<10000x128xf32, #tpu.memory_space<hbm>>
          tpu.enqueue_indirect_dma source(%dma_start3A_133 : memref<10000x128xf32, #tpu.memory_space<hbm>>) target(%arg10 : memref<120x128xf32, #tpu.memory_space<vmem>>) offsets(%dma_start3A_130 : memref<120xi32, #tpu.memory_space<vmem>>) semaphore(%arg13 : memref<!tpu.dma_semaphore, #tpu.memory_space<semaphore_mem>>)
          %add3A_134 = arith.constant 1 : i32
          %add3A_135 = arith.addi %add3A_103, %add3A_134 : i32
          "tpu.region"() ({
            %run_scoped3A_136 = tpu.sem_alloc : memref<!tpu.dma_semaphore, #tpu.memory_space<semaphore_mem>>
            %dma_start3A_137 = arith.constant 0 : i32
            %dma_start3A_138 = tpu.memref_slice %arg9[%add3A_135, %dma_start3A_137] : memref<42x120xi32, #tpu.memory_space<vmem>> -> memref<1x120xi32, #tpu.memory_space<vmem>>
            %dma_start3A_139 = tpu.memref_squeeze %dma_start3A_138 : memref<1x120xi32, #tpu.memory_space<vmem>> -> memref<120xi32, #tpu.memory_space<vmem>>
            %dma_start3A_140 = arith.constant 0 : i32
            %dma_start3A_141 = arith.constant 0 : i32
            %dma_start3A_142 = tpu.memref_slice %arg12[%dma_start3A_140, %dma_start3A_141] : memref<10240x128xf32, #tpu.memory_space<vmem_shared>> -> memref<10240x128xf32, #tpu.memory_space<vmem_shared>>
            tpu.enqueue_indirect_dma source(%arg11 : memref<120x128xf32, #tpu.memory_space<vmem>>) target(%dma_start3A_142 : memref<10240x128xf32, #tpu.memory_space<vmem_shared>>) offsets(%dma_start3A_139 : memref<120xi32, #tpu.memory_space<vmem>>) semaphore(%run_scoped3A_136 : memref<!tpu.dma_semaphore, #tpu.memory_space<semaphore_mem>>) {add = true}
            %dma_wait3A_143 = arith.constant 0 : i32
            %dma_wait3A_144 = tpu.memref_slice %arg9[%add3A_135, %dma_wait3A_143] : memref<42x120xi32, #tpu.memory_space<vmem>> -> memref<1x120xi32, #tpu.memory_space<vmem>>
            %dma_wait3A_145 = tpu.memref_squeeze %dma_wait3A_144 : memref<1x120xi32, #tpu.memory_space<vmem>> -> memref<120xi32, #tpu.memory_space<vmem>>
            %dma_wait3A_146 = arith.constant 0 : i32
            %dma_wait3A_147 = arith.constant 0 : i32
            %dma_wait3A_148 = tpu.memref_slice %arg12[%dma_wait3A_146, %dma_wait3A_147] : memref<10240x128xf32, #tpu.memory_space<vmem_shared>> -> memref<10240x128xf32, #tpu.memory_space<vmem_shared>>
            tpu.wait_indirect_dma semaphore(%run_scoped3A_136 : memref<!tpu.dma_semaphore, #tpu.memory_space<semaphore_mem>>) src(%arg11 : memref<120x128xf32, #tpu.memory_space<vmem>>) dst(%dma_wait3A_148 : memref<10240x128xf32, #tpu.memory_space<vmem_shared>>)
            tpu.yield
          }) : () -> ()
        }
        %scan3A_76 = arith.constant 20 : i32
        %dma_wait3A_77 = arith.constant 40 : i32
        %dma_wait3A_78 = arith.constant 0 : i32
        %dma_wait3A_79 = tpu.memref_slice %arg8[%dma_wait3A_77, %dma_wait3A_78] : memref<42x120xi32, #tpu.memory_space<vmem>> -> memref<1x120xi32, #tpu.memory_space<vmem>>
        %dma_wait3A_80 = tpu.memref_squeeze %dma_wait3A_79 : memref<1x120xi32, #tpu.memory_space<vmem>> -> memref<120xi32, #tpu.memory_space<vmem>>
        %dma_wait3A_81 = arith.constant 0 : i32
        %dma_wait3A_82 = arith.constant 0 : i32
        %dma_wait3A_83 = tpu.memref_slice %arg5[%dma_wait3A_81, %dma_wait3A_82] : memref<10000x128xf32, #tpu.memory_space<hbm>> -> memref<10000x128xf32, #tpu.memory_space<hbm>>
        tpu.wait_indirect_dma semaphore(%arg13 : memref<!tpu.dma_semaphore, #tpu.memory_space<semaphore_mem>>) src(%dma_wait3A_83 : memref<10000x128xf32, #tpu.memory_space<hbm>>) dst(%arg10 : memref<120x128xf32, #tpu.memory_space<vmem>>)
        %dma_start3A_84 = arith.constant 41 : i32
        %dma_start3A_85 = arith.constant 0 : i32
        %dma_start3A_86 = tpu.memref_slice %arg8[%dma_start3A_84, %dma_start3A_85] : memref<42x120xi32, #tpu.memory_space<vmem>> -> memref<1x120xi32, #tpu.memory_space<vmem>>
        %dma_start3A_87 = tpu.memref_squeeze %dma_start3A_86 : memref<1x120xi32, #tpu.memory_space<vmem>> -> memref<120xi32, #tpu.memory_space<vmem>>
        %dma_start3A_88 = arith.constant 0 : i32
        %dma_start3A_89 = arith.constant 0 : i32
        %dma_start3A_90 = tpu.memref_slice %arg5[%dma_start3A_88, %dma_start3A_89] : memref<10000x128xf32, #tpu.memory_space<hbm>> -> memref<10000x128xf32, #tpu.memory_space<hbm>>
        tpu.enqueue_indirect_dma source(%dma_start3A_90 : memref<10000x128xf32, #tpu.memory_space<hbm>>) target(%arg11 : memref<120x128xf32, #tpu.memory_space<vmem>>) offsets(%dma_start3A_87 : memref<120xi32, #tpu.memory_space<vmem>>) semaphore(%arg14 : memref<!tpu.dma_semaphore, #tpu.memory_space<semaphore_mem>>)
        %run_scoped3A = arith.constant 40 : i32
        "tpu.region"() ({
          %run_scoped3A_99 = tpu.sem_alloc : memref<!tpu.dma_semaphore, #tpu.memory_space<semaphore_mem>>
          %dma_start3A_100 = arith.constant 0 : i32
          %dma_start3A_101 = tpu.memref_slice %arg9[%run_scoped3A, %dma_start3A_100] : memref<42x120xi32, #tpu.memory_space<vmem>> -> memref<1x120xi32, #tpu.memory_space<vmem>>
          %dma_start3A_102 = tpu.memref_squeeze %dma_start3A_101 : memref<1x120xi32, #tpu.memory_space<vmem>> -> memref<120xi32, #tpu.memory_space<vmem>>
          %dma_start3A_103 = arith.constant 0 : i32
          %dma_start3A_104 = arith.constant 0 : i32
          %dma_start3A_105 = tpu.memref_slice %arg12[%dma_start3A_103, %dma_start3A_104] : memref<10240x128xf32, #tpu.memory_space<vmem_shared>> -> memref<10240x128xf32, #tpu.memory_space<vmem_shared>>
          tpu.enqueue_indirect_dma source(%arg10 : memref<120x128xf32, #tpu.memory_space<vmem>>) target(%dma_start3A_105 : memref<10240x128xf32, #tpu.memory_space<vmem_shared>>) offsets(%dma_start3A_102 : memref<120xi32, #tpu.memory_space<vmem>>) semaphore(%run_scoped3A_99 : memref<!tpu.dma_semaphore, #tpu.memory_space<semaphore_mem>>) {add = true}
          %dma_wait3A_106 = arith.constant 0 : i32
          %dma_wait3A_107 = tpu.memref_slice %arg9[%run_scoped3A, %dma_wait3A_106] : memref<42x120xi32, #tpu.memory_space<vmem>> -> memref<1x120xi32, #tpu.memory_space<vmem>>
          %dma_wait3A_108 = tpu.memref_squeeze %dma_wait3A_107 : memref<1x120xi32, #tpu.memory_space<vmem>> -> memref<120xi32, #tpu.memory_space<vmem>>
          %dma_wait3A_109 = arith.constant 0 : i32
          %dma_wait3A_110 = arith.constant 0 : i32
          %dma_wait3A_111 = tpu.memref_slice %arg12[%dma_wait3A_109, %dma_wait3A_110] : memref<10240x128xf32, #tpu.memory_space<vmem_shared>> -> memref<10240x128xf32, #tpu.memory_space<vmem_shared>>
          tpu.wait_indirect_dma semaphore(%run_scoped3A_99 : memref<!tpu.dma_semaphore, #tpu.memory_space<semaphore_mem>>) src(%arg10 : memref<120x128xf32, #tpu.memory_space<vmem>>) dst(%dma_wait3A_111 : memref<10240x128xf32, #tpu.memory_space<vmem_shared>>)
          tpu.yield
        }) : () -> ()
        %dma_wait3A_91 = arith.constant 41 : i32
        %dma_wait3A_92 = arith.constant 0 : i32
        %dma_wait3A_93 = tpu.memref_slice %arg8[%dma_wait3A_91, %dma_wait3A_92] : memref<42x120xi32, #tpu.memory_space<vmem>> -> memref<1x120xi32, #tpu.memory_space<vmem>>
        %dma_wait3A_94 = tpu.memref_squeeze %dma_wait3A_93 : memref<1x120xi32, #tpu.memory_space<vmem>> -> memref<120xi32, #tpu.memory_space<vmem>>
        %dma_wait3A_95 = arith.constant 0 : i32
        %dma_wait3A_96 = arith.constant 0 : i32
        %dma_wait3A_97 = tpu.memref_slice %arg5[%dma_wait3A_95, %dma_wait3A_96] : memref<10000x128xf32, #tpu.memory_space<hbm>> -> memref<10000x128xf32, #tpu.memory_space<hbm>>
        tpu.wait_indirect_dma semaphore(%arg14 : memref<!tpu.dma_semaphore, #tpu.memory_space<semaphore_mem>>) src(%dma_wait3A_97 : memref<10000x128xf32, #tpu.memory_space<hbm>>) dst(%arg11 : memref<120x128xf32, #tpu.memory_space<vmem>>)
        %run_scoped3A_98 = arith.constant 41 : i32
        "tpu.region"() ({
          %run_scoped3A_99 = tpu.sem_alloc : memref<!tpu.dma_semaphore, #tpu.memory_space<semaphore_mem>>
          %dma_start3A_100 = arith.constant 0 : i32
          %dma_start3A_101 = tpu.memref_slice %arg9[%run_scoped3A_98, %dma_start3A_100] : memref<42x120xi32, #tpu.memory_space<vmem>> -> memref<1x120xi32, #tpu.memory_space<vmem>>
          %dma_start3A_102 = tpu.memref_squeeze %dma_start3A_101 : memref<1x120xi32, #tpu.memory_space<vmem>> -> memref<120xi32, #tpu.memory_space<vmem>>
          %dma_start3A_103 = arith.constant 0 : i32
          %dma_start3A_104 = arith.constant 0 : i32
          %dma_start3A_105 = tpu.memref_slice %arg12[%dma_start3A_103, %dma_start3A_104] : memref<10240x128xf32, #tpu.memory_space<vmem_shared>> -> memref<10240x128xf32, #tpu.memory_space<vmem_shared>>
          tpu.enqueue_indirect_dma source(%arg11 : memref<120x128xf32, #tpu.memory_space<vmem>>) target(%dma_start3A_105 : memref<10240x128xf32, #tpu.memory_space<vmem_shared>>) offsets(%dma_start3A_102 : memref<120xi32, #tpu.memory_space<vmem>>) semaphore(%run_scoped3A_99 : memref<!tpu.dma_semaphore, #tpu.memory_space<semaphore_mem>>) {add = true}
          %dma_wait3A_106 = arith.constant 0 : i32
          %dma_wait3A_107 = tpu.memref_slice %arg9[%run_scoped3A_98, %dma_wait3A_106] : memref<42x120xi32, #tpu.memory_space<vmem>> -> memref<1x120xi32, #tpu.memory_space<vmem>>
          %dma_wait3A_108 = tpu.memref_squeeze %dma_wait3A_107 : memref<1x120xi32, #tpu.memory_space<vmem>> -> memref<120xi32, #tpu.memory_space<vmem>>
          %dma_wait3A_109 = arith.constant 0 : i32
          %dma_wait3A_110 = arith.constant 0 : i32
          %dma_wait3A_111 = tpu.memref_slice %arg12[%dma_wait3A_109, %dma_wait3A_110] : memref<10240x128xf32, #tpu.memory_space<vmem_shared>> -> memref<10240x128xf32, #tpu.memory_space<vmem_shared>>
          tpu.wait_indirect_dma semaphore(%run_scoped3A_99 : memref<!tpu.dma_semaphore, #tpu.memory_space<semaphore_mem>>) src(%arg11 : memref<120x128xf32, #tpu.memory_space<vmem>>) dst(%dma_wait3A_111 : memref<10240x128xf32, #tpu.memory_space<vmem_shared>>)
          tpu.yield
        }) : () -> ()
      }
      %scan3A_28 = arith.constant 2 : i32
    } else {
    }
    %barrier3A_14 = arith.constant 0 : index
    tpu.barrier barrier_id(%barrier3A_14)
    %dma_start3A_15 = arith.constant 0 : i32
    %dma_start3A_16 = tpu.memref_slice %arg7[%arg0, %mul3A_0, %dma_start3A_15] : memref<2x10240x128xf32, #tpu.memory_space<hbm>> -> memref<1x640x128xf32, #tpu.memory_space<hbm>>
    %dma_start3A_17 = tpu.memref_squeeze %dma_start3A_16 : memref<1x640x128xf32, #tpu.memory_space<hbm>> -> memref<640x128xf32, #tpu.memory_space<hbm>>
    %dma_start3A_18 = arith.constant 0 : i32
    %dma_start3A_19 = tpu.memref_slice %arg12[%mul3A_0, %dma_start3A_18] : memref<10240x128xf32, #tpu.memory_space<vmem_shared>> -> memref<640x128xf32, #tpu.memory_space<vmem_shared>>
    tpu.enqueue_dma source(%dma_start3A_19 : memref<640x128xf32, #tpu.memory_space<vmem_shared>>) target(%dma_start3A_17 : memref<640x128xf32, #tpu.memory_space<hbm>>) target_semaphore(%arg13 : memref<!tpu.dma_semaphore, #tpu.memory_space<semaphore_mem>>)
    %dma_wait3A_20 = arith.constant 0 : i32
    %dma_wait3A_21 = tpu.memref_slice %arg7[%arg0, %mul3A_0, %dma_wait3A_20] : memref<2x10240x128xf32, #tpu.memory_space<hbm>> -> memref<1x640x128xf32, #tpu.memory_space<hbm>>
    %dma_wait3A_22 = tpu.memref_squeeze %dma_wait3A_21 : memref<1x640x128xf32, #tpu.memory_space<hbm>> -> memref<640x128xf32, #tpu.memory_space<hbm>>
    %dma_wait3A_23 = arith.constant 0 : i32
    %dma_wait3A_24 = tpu.memref_slice %arg12[%mul3A_0, %dma_wait3A_23] : memref<10240x128xf32, #tpu.memory_space<vmem_shared>> -> memref<640x128xf32, #tpu.memory_space<vmem_shared>>
    tpu.wait_dma2 semaphore(%arg13 : memref<!tpu.dma_semaphore, #tpu.memory_space<semaphore_mem>>) src(%dma_wait3A_24 : memref<640x128xf32, #tpu.memory_space<vmem_shared>>) dst(%dma_wait3A_22 : memref<640x128xf32, #tpu.memory_space<hbm>>)
    return
  }
}

module attributes {stable_mosaic.version = 14 : i64} {
  func.func @_tc_matmul_body(%arg0: i32, %arg1: memref<2x400x128xf32, #tpu.memory_space<vmem>>, %arg2: memref<256x256xf32, #tpu.memory_space<vmem>>, %arg3: memref<400x256xf32, #tpu.memory_space<vmem>>) attributes {dimension_semantics = [#tpu.dimension_semantics<arbitrary>], iteration_bounds = array<i64: 25>, scalar_prefetch = 0 : i64, scratch_operands = 0 : i64, tpu.core_type = #tpu.core_type<tc>, window_params = [{transform_indices = @transform_0, window_bounds = array<i64: 2, 400, 128>}, {pipeline_mode = #tpu.pipeline_mode<synchronous>, transform_indices = @transform_1, window_bounds = array<i64: 256, 256>}, {transform_indices = @transform_2, window_bounds = array<i64: 400, 256>}]} {
    %get3A = arith.constant 0 : index
    %get3A_0 = arith.constant 0 : index
    %get3A_1 = arith.constant 0 : index
    %get3A_2 = vector.load %arg1[%get3A, %get3A_0, %get3A_1] : memref<2x400x128xf32, #tpu.memory_space<vmem>>, vector<1x400x128xf32>
    %get3A_3 = vector.shape_cast %get3A_2 : vector<1x400x128xf32> to vector<400x128xf32>
    %get3A_4 = arith.constant 0 : index
    %get3A_5 = arith.constant 0 : index
    %get3A_6 = vector.load %arg2[%get3A_4, %get3A_5] : memref<256x256xf32, #tpu.memory_space<vmem>>, vector<128x256xf32>
    %dot_general3A = arith.constant dense<0.000000e+00> : vector<400x256xf32>
    %dot_general3A_7 = tpu.matmul %get3A_3, %get3A_6, %dot_general3A {dimension_numbers = #tpu.dot_dimension_numbers<[1], [0], [0], [1], [0, 0, 1, 1], [], []>, precision = #tpu.contract_precision<fp32>, transpose_lhs_hint = false} : vector<400x128xf32>, vector<128x256xf32>, vector<400x256xf32> -> vector<400x256xf32>
    %get3A_8 = arith.constant 1 : index
    %get3A_9 = arith.constant 0 : index
    %get3A_10 = arith.constant 0 : index
    %get3A_11 = vector.load %arg1[%get3A_8, %get3A_9, %get3A_10] : memref<2x400x128xf32, #tpu.memory_space<vmem>>, vector<1x400x128xf32>
    %get3A_12 = vector.shape_cast %get3A_11 : vector<1x400x128xf32> to vector<400x128xf32>
    %get3A_13 = arith.constant 128 : index
    %get3A_14 = arith.constant 0 : index
    %get3A_15 = vector.load %arg2[%get3A_13, %get3A_14] : memref<256x256xf32, #tpu.memory_space<vmem>>, vector<128x256xf32>
    %dot_general3A_16 = arith.constant dense<0.000000e+00> : vector<400x256xf32>
    %dot_general3A_17 = tpu.matmul %get3A_12, %get3A_15, %dot_general3A_16 {dimension_numbers = #tpu.dot_dimension_numbers<[1], [0], [0], [1], [0, 0, 1, 1], [], []>, precision = #tpu.contract_precision<fp32>, transpose_lhs_hint = false} : vector<400x128xf32>, vector<128x256xf32>, vector<400x256xf32> -> vector<400x256xf32>
    %add3A = arith.addf %dot_general3A_7, %dot_general3A_17 : vector<400x256xf32>
    %swap3A = arith.constant 0 : index
    %swap3A_18 = arith.constant 0 : index
    %swap3A_19 = vector.load %arg3[%swap3A, %swap3A_18] : memref<400x256xf32, #tpu.memory_space<vmem>>, vector<400x256xf32>
    tpu.vector_store %arg3[%swap3A, %swap3A_18], %add3A {strides = array<i32>} : memref<400x256xf32, #tpu.memory_space<vmem>>, vector<400x256xf32>,
    return
  }
  func.func @transform_0(%arg0: i32) -> (i32, i32, i32) {
    %c0_i32 = arith.constant 0 : i32
    %c0_i32_0 = arith.constant 0 : i32
    %c0_i32_1 = arith.constant 0 : i32
    return %c0_i32, %arg0, %c0_i32_0 : i32, i32, i32
  }
  func.func @transform_1(%arg0: i32) -> (i32, i32) {
    %c0_i32 = arith.constant 0 : i32
    %c0_i32_0 = arith.constant 0 : i32
    %c0_i32_1 = arith.constant 0 : i32
    return %c0_i32, %c0_i32_0 : i32, i32
  }
  func.func @transform_2(%arg0: i32) -> (i32, i32) {
    %c0_i32 = arith.constant 0 : i32
    %c0_i32_0 = arith.constant 0 : i32
    return %arg0, %c0_i32 : i32, i32
  }
}

</mosaic_0001>

<sc_bundles>
// kernel: kernel.4.cloned.1.call-start
scs
__scs_entry_jumppad:
0x0: {  	(pc) =	sbr.rel $0x88, $3  }
0x1: {  	(tag) =	ssettag $0x0;
	lr =	simm.s32 $0x1  }
0x2: {  	[smem:$0x3F9E] =	sst lr;
	_ =	strace $0xD0000000  }
0x3: {  	_ = 	snop  }
0x4: {  	_ = 	snop  }
0x5: {  	_ = 	snop  }
0x6: {  	_ = 	snop  }
0x7: {  	_ = 	snop  }
__scs_overlays_trampoline_lowered:
0x8: {  	[smem:$0x3FAD] =	sst s0  }
0x9: {  	[smem:$0x3FAE] =	sst s1  }
0xa: {  	[smem:$0x3FAF] =	sst s2  }
0xb: {  	[smem:$0x3FB0] =	sst s3  }
0xc: {  	[smem:$0x3FB1] =	sst s4  }
0xd: {  	[smem:$0x3FB2] =	sst s5  }
0xe: {  	[smem:$0x3FB3] =	sst s6  }
0xf: {  	[smem:$0x3FB4] =	sst s7  }
0x10: {  	[smem:$0x3FB5] =	sst s8  }
0x11: {  	[smem:$0x3FB6] =	sst s9;
	s0 =	simm.s32 @!p0 $0x0  }
0x12: {  	s1 =	sld [smem:$0x3F9C];
	s0 =	simm.s32 @p0 $0x1  }
0x13: {  	[smem:$0x3FB7] =	sst s0;
	s0 =	simm.s32 @!p1 $0x0  }
0x14: {  	s2 =	sld [smem:$0x3F9B];
	s0 =	simm.s32 @p1 $0x1  }
0x15: {  	[smem:$0x3FB8] =	sst s0;
	s0 =	simm.s32 @!p2 $0x0  }
0x16: {  	s3 =	sld [smem:$0x3FDB];
	s0 =	simm.s32 @p2 $0x1  }
0x17: {  	s4 =	simm.s32 $0x1BF5;
	[smem:$0x3FBA] =	sst s0  }
0x18: {  	s0 =	sld [smem:$0x3F9D];
	_ =	swait.ge [sflag:s4], $0x0  }
0x19: {  	s7 =	sld [smem:$0x3F9E]  }
0x1a: {  	s8 =	sadd.s32 $0xFFFFE003, lr  }
0x1b: {  	s9 =	sadd.s32 $0xFFFFFEF7, lr;
	s5 =	simm.s32 $0xFFFFFFFF;
	p2 =	slt.u32 s8, $0xFFFFF086  }
0x1c: {  	p1 =	slt.u32 s9, $0xF7A;
	s5 =	simm.s32 @!p2 $0x0  }
0x1d: {  	s5 =	simm.s32 @p1 $0x1;
	p0 =	seq.s32 s7, s2  }
0x1e: {  	s7 =	smul.u32 @!p0 $0xF7A, s2;
	p2 =	seq.s32 @!p0 s5, $0x0  }
0x1f: {  	s9 =	smul.u32 $0xF7A, s1;
	s8 =	simm.s32 @!p0 $0x1BF5;
	p2 =	por !p2, p0  }
0x20: {  	[sflag:s8] =	ssyncset.s32 @!p0 $0xFFFFF086;
	s6 =	sadd.s32 @!p0 s3, s7;
	s7 =	simm.s32 @!p0 $0x108  }
0x21: {  	s3 =	sadd.s32 s3, s9;
	s6 =	sadd.s32 @!p0 $0x88, s6;
	s7 =	simm.s32 @p2 $0x1082  }
0x22: {  	[simem:s7], [sflag:s8] =	dma.local @!p0 [hbm:s6], $0xF7A  }
0x23: {  	s9 =	sor.u32 $0xD0000000, s2;
	s6 =	simm.s32 $0x108;
	_ =	swait.ge @!p0 [sflag:s8], $0x0  }
0x24: {  	s3 =	sadd.s32 $0x88, s3;
	s6 =	simm.s32 @!p1 $0x1082;
	[sflag:s4] =	ssyncset.s32 $0xFFFFF086  }
0x25: {  	[simem:s6], [sflag:s4] =	dma.local [hbm:s3], $0xF7A  }
0x26: {  	[smem:$0x3F9E] =	sst s1;
	(tag) =	ssettag s2;
	_ =	strace s9  }
0x27: {  	s1 =	sld [smem:$0x3FAE]  }
0x28: {  	s2 =	sld [smem:$0x3FAF]  }
0x29: {  	s4 =	sld [smem:$0x3FB1]  }
0x2a: {  	p0 =	seq.s32 s5, $0x0;
	s5 =	sld [smem:$0x3FB2]  }
0x2b: {  	s6 =	sld [smem:$0x3FB3]  }
0x2c: {  	s7 =	sld [smem:$0x3FB4]  }
0x2d: {  	s3 =	simm.s32 $0x108;
	s8 =	sld [smem:$0x3FB5]  }
0x2e: {  	s3 =	simm.s32 @!p0 $0x1082;
	s9 =	sld [smem:$0x3FB6]  }
0x2f: {  	lr =	sadd.s32 s0, s3;
	s0 =	sld [smem:$0x3FAD]  }
0x30: {  	s3 =	sld [smem:$0x3FB0]  }
0x31: {  	[smem:$0x3FB9] =	sst s10  }
0x32: {  	s10 =	sld [smem:$0x3FB7];
	_ =	sdelay $0x3  }
0x33: {  	p0 =	seq.s32 s10, $0x1;
	s10 =	sld [smem:$0x3FB9];
	_ =	sdelay $0x3  }
0x34: {  	[smem:$0x3FB9] =	sst s10  }
0x35: {  	s10 =	sld [smem:$0x3FB8];
	_ =	sdelay $0x3  }
0x36: {  	p1 =	seq.s32 s10, $0x1;
	s10 =	sld [smem:$0x3FB9];
	_ =	sdelay $0x3  }
0x37: {  	[smem:$0x3FB9] =	sst s10  }
0x38: {  	s10 =	sld [smem:$0x3FBA]  }
0x39: {  	_ = 	snop;
	(pc) =	sbr.ind lr, $3  }
0x3a: {  	_ = 	snop  }
0x3b: {  	_ = 	snop  }
0x3c: {  	p2 =	seq.s32 s10, $0x1;
	s10 =	sld [smem:$0x3FB9]  }
0x3d: {  	_ =	shalt  }
0x3e: {  	_ =	shalt  }
0x3f: {  	_ =	shalt  }
0x40: {  	_ =	shalt  }
0x41: {  	_ =	shalt  }
0x42: {  	_ =	shalt  }
0x43: {  	_ =	shalt  }
0x44: {  	_ =	shalt  }
0x45: {  	_ =	shalt  }
0x46: {  	_ =	shalt  }
0x47: {  	_ =	shalt  }
0x48: {  	_ =	shalt  }
0x49: {  	_ =	shalt  }
0x4a: {  	_ =	shalt  }
0x4b: {  	_ =	shalt  }
0x4c: {  	_ =	shalt  }
0x4d: {  	_ =	shalt  }
0x4e: {  	_ =	shalt  }
0x4f: {  	_ =	shalt  }
0x50: {  	_ =	shalt  }
0x51: {  	_ =	shalt  }
0x52: {  	_ =	shalt  }
0x53: {  	_ =	shalt  }
0x54: {  	_ =	shalt  }
0x55: {  	_ =	shalt  }
0x56: {  	_ =	shalt  }
0x57: {  	_ =	shalt  }
0x58: {  	_ =	shalt  }
0x59: {  	_ =	shalt  }
0x5a: {  	_ =	shalt  }
0x5b: {  	_ =	shalt  }
0x5c: {  	_ =	shalt  }
0x5d: {  	_ =	shalt  }
0x5e: {  	_ =	shalt  }
0x5f: {  	_ =	shalt  }
0x60: {  	_ =	shalt  }
0x61: {  	_ =	shalt  }
0x62: {  	_ =	shalt  }
0x63: {  	_ =	shalt  }
0x64: {  	_ =	shalt  }
0x65: {  	_ =	shalt  }
0x66: {  	_ =	shalt  }
0x67: {  	_ =	shalt  }
0x68: {  	_ =	shalt  }
0x69: {  	_ =	shalt  }
0x6a: {  	_ =	shalt  }
0x6b: {  	_ =	shalt  }
0x6c: {  	_ =	shalt  }
0x6d: {  	_ =	shalt  }
0x6e: {  	_ =	shalt  }
0x6f: {  	_ =	shalt  }
0x70: {  	_ =	shalt  }
0x71: {  	_ =	shalt  }
0x72: {  	_ =	shalt  }
0x73: {  	_ =	shalt  }
0x74: {  	_ =	shalt  }
0x75: {  	_ =	shalt  }
0x76: {  	_ =	shalt  }
0x77: {  	_ =	shalt  }
0x78: {  	_ =	shalt  }
0x79: {  	_ =	shalt  }
0x7a: {  	_ =	shalt  }
0x7b: {  	_ =	shalt  }
0x7c: {  	_ =	shalt  }
0x7d: {  	_ =	shalt  }
0x7e: {  	_ =	shalt  }
0x7f: {  	_ =	shalt  }
0x80: {  	_ =	shalt  }
0x81: {  	_ =	shalt  }
0x82: {  	_ =	shalt  }
0x83: {  	_ =	shalt  }
0x84: {  	_ =	shalt  }
0x85: {  	_ =	shalt  }
0x86: {  	_ =	shalt  }
0x87: {  	_ =	shalt  }
.Lfunc_end0:
.L_simem_size_0:
called_computation_lowered:
.L_overlay_start_0:
0x88: {  	s2 =	sld [smem:$0x3FD9]  }
0x89: {  	s3 =	sld [smem:$0x3FFE];
	_ =	sdelay $0x1  }
0x8a: {  	s1 =	srdreg.scid  }
0x8b: {  	s0 =	sand.u32 $0x1, s1  }
0x8c: {  	s17 =	sshll.u32 s0, $0xA;
	s2 =	sadd.s32 s3, s2  }
0x8d: {  	s2 =	sadd.s32 s2, s17  }
0x8e: {  	[smem:$0x3FC5] =	sst s2  }
0x8f: {  	_ = 	snop  }
0x90: {  	s2 =	sld [smem:$0x3FD0];
	(tm) =	ssettm $0x1  }
0x91: {  	s18 =	sld [smem:$0x3FFB];
	_ =	sdelay $0x3  }
0x92: {  	_ =	strace s18  }
0x93: {  	s3 =	sld [smem:$0x3FFC];
	_ =	sdelay $0x3  }
0x94: {  	_ =	strace s3  }
0x95: {  	s3 =	sld [smem:$0x3FFD];
	_ =	sdelay $0x3  }
0x96: {  	_ =	strace s3  }
0x97: {  	_ =	strace $0x8FFFFFFF  }
0x98: {  	s19 =	sld [smem:$0x3FDB];
	_ =	sdelay $0x1  }
0x99: {  	s4 =	simm.s32 $_scs_section_size  }
0x9a: {  	s5 =	simm.s32 $_size__tile_overlayer_lowered;
	s6 =	simm.s32 $_tile_overlayer_lowered  }
0x9b: {  	s22 =	simm.s32 $0x1BFF;
	s21 =	sshll.u32 s6, $0x1;
	s3 =	sadd.s32 s4, s19  }
0x9c: {  	s7 =	simm.s32 $0x0;
	s20 =	sshll.u32 s5, $0x1;
	s5 =	sadd.s32 s21, s3  }
0x9d: {  	[timem:s7], [sflag:s22] =	dma.local [hbm:s5], s20  }
0x9e: {  	_ =	swait.ge [sflag:s22], s20  }
0x9f: {  	s4 =	ssub.s32 $0x0, s20;
	[sflag:s22] =	ssyncset.done $0x0  }
0xa0: {  	[sflag:s22] =	ssyncadd.s32 s4;
	_ =	sdelay $0x1  }
0xa1: {  	s23 =	simm.s32 $0x1B8B  }
0xa2: {  	_ =	swait.ge [sflag:s23], $0x1  }
0xa3: {  	[sflag:s23] =	ssyncset.done $0x0  }
0xa4: {  	s25 =	simm.s32 $0x1B8E;
	s24 =	sld [smem:$0x3FFE];
	[sflag:s23] =	ssyncadd.s32 $0xFFFFFFFF  }
0xa5: {  	s26 =	simm.s32 $execute0_lowered;
	[smem:$0x3FD2] =	sst s25  }
0xa6: {  	s5 =	sshll.u32 s26, $0x1;
	_ =	strace $0x80000046;
	[dreg:$0x1] =	wrdreg $0xFFFFFFFF  }
0xa7: {  	s28 =	simm.s32 $_size_execute0_lowered;
	s3 =	sadd.s32 s3, s5;
	[dreg:$0x0] =	wrdreg $0x0  }
0xa8: {  	s5 =	sshll.u32 s28, $0x1;
	[dreg:$0x2] =	wrdreg s3  }
0xa9: {  	[dreg:$0x3] =	wrdreg s5  }
0xaa: {  	[dreg:$0x4] =	wrdreg $0xC0  }
0xab: {  	_ =	task [dreg:s7], $0x5FFFF  }
0xac: {  	[dreg:$0x1] =	wrdreg $0xFFFFFFFF  }
0xad: {  	[dreg:$0x0] =	wrdreg $0x60  }
0xae: {  	[dreg:$0x2] =	wrdreg s24  }
0xaf: {  	[dreg:$0x3] =	wrdreg s2  }
0xb0: {  	[dreg:$0x4] =	wrdreg $0xA8000  }
0xb1: {  	[dreg:$0x5] =	wrdreg $0x9  }
0xb2: {  	_ =	task.clear_ibuf [dreg:s7], $0x6FFFF;
	_ =	strace $0x90000046  }
0xb3: {  	s29 =	simm.s32 $0x9;
	_ =	strace $0x80000048  }
0xb4: {  	_ =	swait.ge [sflag:s29], $0x1  }
0xb5: {  	[sflag:s29] =	ssyncadd.s32 $0xFFFFFFFF  }
0xb6: {  	_ =	strace $0x90000048  }
0xb7: {  	_ =	sfence  }
0xb8: {  	s30 =	sld [smem:$0x0];
	_ =	sdelay $0x2  }
0xb9: {  	s31 =	sshll.u32 s1, $0xD;
	s1 =	sshrl.u32 s1, $0x2  }
0xba: {  	s3 =	sand.u32 $0x4000, s31;
	s1 =	sadd.s32 s1, s30  }
0xbb: {  	s0 =	sor.u32 s3, s0;
	s1 =	sshll.u32 s1, $0x11  }
0xbc: {  	s0 =	sor.u32 s1, s0  }
0xbd: {  	s0 =	sadd.s32 $0x8F2B, s0  }
0xbe: {  	[sflag:s0] =	ssyncadd.remote.s32 $0x1  }
0xbf: {  	_ =	sfence.sel $0xFFFF  }
0xc0: {  	[dreg:$0x0] =	wrdreg $0xFFFFFFFF;
	(pc) =	sbr.abs _section_cstart, $3  }
0xc1: {  	[dreg:$0x1] =	wrdreg $0xFFFFFFFF  }
0xc2: {  	_ =	task.clear_ibuf [dreg:s7], $0x2FFFF;
	_ =	strace $0x9FFFFFFF  }
0xc3: {  	(tm) =	ssettm $0x7FFFFFFF  }
tec
execute0_lowered:
.L_overlay_start_1:
0x0: {  	(tag) =	ssettag $0x1  }
0x1: {  	s6 =	rddreg [dreg:$0x0]  }
0x2: {  	s7 =	rddreg [dreg:$0x1]  }
0x3: {  	s2 =	rddreg [dreg:$0x2]  }
0x4: {  	s0 =	rddreg [dreg:$0x3]  }
0x5: {  	s4 =	srdreg.scid;
	s1 =	stileid.u32  }
0x6: {  	s3 =	simm.s32 $0x0;
	s17 =	simm.s32 $0x2;
	s18 =	simm.s32 $0x78  }
0x7: {  	s19 =	simm.s32 $0x3000;
	s20 =	simm.s32 $0x6C00;
	s21 =	simm.s32 $0x3  }
0x8: {  	s22 =	simm.s32 $0x1480;
	s23 =	simm.s32 $0x2C00;
	s24 =	simm.s32 $0x2C80  }
0x9: {  	s8 =	sand.u32 $0x1, s4;
	s9 =	smul.u32 $0x14000, s1;
	[smem:$0x7FF] =	sst s3  }
0xa: {  	s12 =	sadd.s32 $0x4E800, s6;
	s13 =	sadd.s32 $0x54800, s6;
	s15 =	smul.u32 $0x50000, s1  }
0xb: {  	s4 =	sadd.s32 $0x27600, s6;
	s30 =	smul.u32 $0x3000, s1;
	s31 =	sshll.u32 s1, $0x6  }
0xc: {  	s5 =	smul.u32 $0x140000, s8;
	_ =	strace $0x80000047;
	s10 =	ssub.s32 $0x2, s8  }
0xd: {  	p0 =	seq.s32 s8, $0x1;
	s14 =	sshrl.u32 s10, $0x1;
	s29 =	sshrl.u32 s15, $0x2  }
0xe: {  	s5 =	sadd.s32 s9, s5;
	s10 =	ssub.s32 s10, s14;
	s9 =	sshrl.u32 s9, $0x3  }
0xf: {  	s15 =	sadd.s32 s29, s2;
	s14 =	sshrl.u32 s30, $0x3;
	s11 =	sshrl.u32 s5, $0x3  }
.Ltmp0:
0x10: {  	s5 =	sadd.s32 $0x400, s6;
	s16 =	sadd.s32 $0x300, s14;
	(pc) =	sbr.rel .LBB2_1-.Ltmp0, $4  }
0x11: {  	s11 =	sadd.s32 s11, s6;
	s6 =	sadd.s32 s7, s9;
	s7 =	sor.u32 $0x1C01, s31  }
0x12: {  	s9 =	smax.u32 s10, $0x1;
	s10 =	sadd.s32 s12, s14;
	s12 =	sadd.s32 s12, s16  }
0x13: {  	s8 =	sadd.s32 $0x5A800, s11;
	s11 =	sadd.s32 s13, s14;
	s13 =	sadd.s32 s13, s16  }
0x14: {  	s14 =	sshrl.u32 s15, $0x3;
	s15 =	simm.s32 $0x1;
	s16 =	simm.s32 $0x1800  }
.LBB2_11:
0x15: {  	[sflag:s21] =	ssyncadd.s32 $0xFFFFC400;
	s25 =	smov.u32 s5  }
.LBB2_12:
0x16: {  	_ =	swait.ge [sflag:s15], $0x3C00  }
0x17: {  	[sflag:s15] =	ssyncset.done $0x0  }
0x18: {  	[sflag:s15] =	ssyncadd.s32 $0xFFFFC400  }
0x19: {  	[tilespmem:s20], [sflag:$0x2] =	stream.indirect.gather [hbm4b:s25+s18], $0x80, s22, s18, $0xb8;
	[tilespmem:$0x1E800] =	vst v63  }
0x1a: {  	_ = 	snop  }
0x1b: {  	[spmem:s2] =	stream.indirect.scatter.add.f32 [tilespmem:s19], [sflag:$0x3], $0x80, s23, s18, $0xb8;
	[tilespmem:$0x1E800] =	vst v63  }
0x1c: {  	_ =	swait.ge [sflag:s21], $0x3C00  }
0x1d: {  	[sflag:s21] =	ssyncset.done $0x0  }
0x1e: {  	[sflag:s21] =	ssyncadd.s32 $0xFFFFC400  }
0x1f: {  	_ =	swait.ge [sflag:s17], $0x3C00  }
0x20: {  	[sflag:s17] =	ssyncset.done $0x0  }
0x21: {  	[sflag:s17] =	ssyncadd.s32 $0xFFFFC400  }
0x22: {  	[spmem:s2] =	stream.indirect.scatter.add.f32 [tilespmem:s20], [sflag:$0x3], $0x80, s24, s18, $0xb8;
	[tilespmem:$0x1E800] =	vst v63  }
0x23: {  	_ =	swait.ge [sflag:s21], $0x3C00  }
0x24: {  	s3 =	sadd.s32 $0x1, s3;
	[sflag:s21] =	ssyncset.done $0x0  }
0x25: {  	p1 =	sne.s32 s3, s9;
	[sflag:s21] =	ssyncadd.s32 $0xFFFFC400  }
.Ltmp1:
0x26: {  	[bflag:$0x0] =	sbarrier.arrive $0xFFFF;
	(pc) =	sbr.rel @!p1 .LBB2_13-.Ltmp1, $4  }
0x27: {  	[hbm:s8], [sflag:s7] =	dma.local [spmem:s14], $0x2800  }
0x28: {  	_ =	swait.ge [sflag:s15], $0x2800  }
0x29: {  	[sflag:s15] =	ssyncset.done $0x0  }
0x2a: {  	[sflag:s15] =	ssyncadd.s32 $0xFFFFD800  }
.LBB2_1:
0x2b: {  	[spmem:s14], [sflag:s7] =	dma.local [hbm:s6], $0x2800  }
.Ltmp2:
0x2c: {  	_ =	swait.ge [sflag:s15], $0x2800;
	(pc) =	sbr.rel @!p0 .LBB2_2-.Ltmp2, $4  }
0x2d: {  	[sflag:s15] =	ssyncset.done $0x0  }
0x2e: {  	[sflag:s15] =	ssyncadd.s32 $0xFFFFD800  }
0x2f: {  	[bflag:$0x0] =	sbarrier.arrive $0xFFFF  }
0x30: {  	s25 =	simm.s32 $0x0  }
0x31: {  	[tilespmem:s25], [sflag:$0x1] =	stream.linear.gather [hbm4b:s10+s25], $0x1500, $0x38;
	[tilespmem:$0x1E800] =	vst v63  }
0x32: {  	_ =	swait.ge [sflag:s15], $0x1500  }
0x33: {  	[sflag:s15] =	ssyncset.done $0x0  }
0x34: {  	[sflag:s15] =	ssyncadd.s32 $0xFFFFEB00  }
0x35: {  	[tilespmem:s16], [sflag:$0x2] =	stream.linear.gather [hbm4b:s11+s25], $0x1500, $0x38;
	[tilespmem:$0x1E800] =	vst v63  }
0x36: {  	_ =	swait.ge [sflag:s17], $0x1500  }
0x37: {  	[sflag:s17] =	ssyncset.done $0x0  }
0x38: {  	[sflag:s17] =	ssyncadd.s32 $0xFFFFEB00  }
0x39: {  	[tilespmem:s19], [sflag:$0x1] =	stream.indirect.gather [hbm4b:s5+s18], $0x80, s25, s18, $0xb8;
	[tilespmem:$0x1E800] =	vst v63  }
0x3a: {  	_ =	swait.ge [sflag:s15], $0x3C00  }
0x3b: {  	[sflag:s15] =	ssyncset.done $0x0  }
0x3c: {  	s28 =	simm.s32 $0x80;
	[sflag:s15] =	ssyncadd.s32 $0xFFFFC400  }
0x3d: {  	[tilespmem:s20], [sflag:$0x2] =	stream.indirect.gather [hbm4b:s5+s18], $0x80, s28, s18, $0xb8;
	[tilespmem:$0x1E800] =	vst v63  }
0x3e: {  	s29 =	simm.s32 $0x1800  }
0x3f: {  	[spmem:s2] =	stream.indirect.scatter.add.f32 [tilespmem:s19], [sflag:$0x3], $0x80, s29, s18, $0xb8;
	[tilespmem:$0x1E800] =	vst v63  }
0x40: {  	_ =	swait.ge [sflag:s21], $0x3C00  }
0x41: {  	[sflag:s21] =	ssyncset.done $0x0  }
0x42: {  	[sflag:s21] =	ssyncadd.s32 $0xFFFFC400  }
0x43: {  	_ =	swait.ge [sflag:s17], $0x3C00  }
0x44: {  	[sflag:s17] =	ssyncset.done $0x0  }
0x45: {  	s30 =	simm.s32 $0x100;
	[sflag:s17] =	ssyncadd.s32 $0xFFFFC400  }
0x46: {  	[tilespmem:s19], [sflag:$0x1] =	stream.indirect.gather [hbm4b:s5+s18], $0x80, s30, s18, $0xb8;
	[tilespmem:$0x1E800] =	vst v63  }
0x47: {  	s31 =	simm.s32 $0x1880  }
0x48: {  	[spmem:s2] =	stream.indirect.scatter.add.f32 [tilespmem:s20], [sflag:$0x3], $0x80, s31, s18, $0xb8;
	[tilespmem:$0x1E800] =	vst v63  }
0x49: {  	_ =	swait.ge [sflag:s21], $0x3C00  }
0x4a: {  	s25 =	simm.s32 $0x400;
	[sflag:s21] =	ssyncset.done $0x0  }
.LBB2_8:
0x4b: {  	p1 =	sne.s32 s25, $0x4C00  }
0x4c: {  	[sflag:s21] =	ssyncadd.s32 $0xFFFFC400;
	s26 =	smov.u32 s25;
	s25 =	sadd.s32 $0x400, s25  }
0x4d: {  	_ = 	snop  }
0x4e: {  	_ =	swait.ge [sflag:s15], $0x3C00  }
0x4f: {  	s26 =	sshra.s32 s26, $0x2;
	[sflag:s15] =	ssyncset.done $0x0  }
0x50: {  	s28 =	sadd.s32 $0x80, s26;
	[sflag:s15] =	ssyncadd.s32 $0xFFFFC400  }
0x51: {  	[tilespmem:s20], [sflag:$0x2] =	stream.indirect.gather [hbm4b:s5+s18], $0x80, s28, s18, $0xb8;
	[tilespmem:$0x1E800] =	vst v63  }
0x52: {  	s28 =	sadd.s32 $0x1800, s26  }
0x53: {  	[spmem:s2] =	stream.indirect.scatter.add.f32 [tilespmem:s19], [sflag:$0x3], $0x80, s28, s18, $0xb8;
	[tilespmem:$0x1E800] =	vst v63  }
0x54: {  	_ =	swait.ge [sflag:s21], $0x3C00  }
0x55: {  	[sflag:s21] =	ssyncset.done $0x0  }
0x56: {  	[sflag:s21] =	ssyncadd.s32 $0xFFFFC400  }
0x57: {  	_ =	swait.ge [sflag:s17], $0x3C00  }
0x58: {  	[sflag:s17] =	ssyncset.done $0x0  }
0x59: {  	s28 =	sadd.s32 $0x100, s26;
	[sflag:s17] =	ssyncadd.s32 $0xFFFFC400  }
0x5a: {  	[tilespmem:s19], [sflag:$0x1] =	stream.indirect.gather [hbm4b:s5+s18], $0x80, s28, s18, $0xb8;
	[tilespmem:$0x1E800] =	vst v63  }
.Ltmp3:
0x5b: {  	_ = 	snop;
	(pc) =	sbr.rel @p1 .LBB2_8-.Ltmp3, $4  }
0x5c: {  	s26 =	sadd.s32 $0x1880, s26  }
0x5d: {  	[spmem:s2] =	stream.indirect.scatter.add.f32 [tilespmem:s20], [sflag:$0x3], $0x80, s26, s18, $0xb8;
	[tilespmem:$0x1E800] =	vst v63  }
0x5e: {  	_ =	swait.ge [sflag:s21], $0x3C00  }
0x5f: {  	[sflag:s21] =	ssyncset.done $0x0  }
0x60: {  	[sflag:s21] =	ssyncadd.s32 $0xFFFFC400  }
0x61: {  	_ =	swait.ge [sflag:s15], $0x3C00  }
0x62: {  	[sflag:s15] =	ssyncset.done $0x0  }
0x63: {  	[sflag:s15] =	ssyncadd.s32 $0xFFFFC400  }
0x64: {  	[tilespmem:s20], [sflag:$0x2] =	stream.indirect.gather [hbm4b:s5+s18], $0x80, s22, s18, $0xb8;
	[tilespmem:$0x1E800] =	vst v63  }
0x65: {  	_ = 	snop  }
0x66: {  	[spmem:s2] =	stream.indirect.scatter.add.f32 [tilespmem:s19], [sflag:$0x3], $0x80, s23, s18, $0xb8;
	[tilespmem:$0x1E800] =	vst v63  }
0x67: {  	_ =	swait.ge [sflag:s21], $0x3C00  }
0x68: {  	[sflag:s21] =	ssyncset.done $0x0  }
0x69: {  	[sflag:s21] =	ssyncadd.s32 $0xFFFFC400  }
0x6a: {  	_ =	swait.ge [sflag:s17], $0x3C00  }
0x6b: {  	[sflag:s17] =	ssyncset.done $0x0  }
0x6c: {  	[sflag:s17] =	ssyncadd.s32 $0xFFFFC400  }
0x6d: {  	[spmem:s2] =	stream.indirect.scatter.add.f32 [tilespmem:s20], [sflag:$0x3], $0x80, s24, s18, $0xb8;
	[tilespmem:$0x1E800] =	vst v63  }
0x6e: {  	_ =	swait.ge [sflag:s21], $0x3C00  }
0x6f: {  	[sflag:s21] =	ssyncset.done $0x0  }
0x70: {  	s25 =	simm.s32 $0x0;
	[sflag:s21] =	ssyncadd.s32 $0xFFFFC400  }
0x71: {  	[tilespmem:s25], [sflag:$0x1] =	stream.linear.gather [hbm4b:s12+s25], $0x1500, $0x38;
	[tilespmem:$0x1E800] =	vst v63  }
0x72: {  	_ =	swait.ge [sflag:s15], $0x1500  }
0x73: {  	[sflag:s15] =	ssyncset.done $0x0  }
0x74: {  	[sflag:s15] =	ssyncadd.s32 $0xFFFFEB00  }
0x75: {  	[tilespmem:s16], [sflag:$0x2] =	stream.linear.gather [hbm4b:s13+s25], $0x1500, $0x38;
	[tilespmem:$0x1E800] =	vst v63  }
0x76: {  	_ =	swait.ge [sflag:s17], $0x1500  }
0x77: {  	[sflag:s17] =	ssyncset.done $0x0  }
0x78: {  	[sflag:s17] =	ssyncadd.s32 $0xFFFFEB00  }
0x79: {  	[tilespmem:s19], [sflag:$0x1] =	stream.indirect.gather [hbm4b:s5+s18], $0x80, s25, s18, $0xb8;
	[tilespmem:$0x1E800] =	vst v63  }
0x7a: {  	_ =	swait.ge [sflag:s15], $0x3C00  }
0x7b: {  	[sflag:s15] =	ssyncset.done $0x0  }
0x7c: {  	s28 =	simm.s32 $0x80;
	[sflag:s15] =	ssyncadd.s32 $0xFFFFC400  }
0x7d: {  	[tilespmem:s20], [sflag:$0x2] =	stream.indirect.gather [hbm4b:s5+s18], $0x80, s28, s18, $0xb8;
	[tilespmem:$0x1E800] =	vst v63  }
0x7e: {  	s29 =	simm.s32 $0x1800  }
0x7f: {  	[spmem:s2] =	stream.indirect.scatter.add.f32 [tilespmem:s19], [sflag:$0x3], $0x80, s29, s18, $0xb8;
	[tilespmem:$0x1E800] =	vst v63  }
0x80: {  	_ =	swait.ge [sflag:s21], $0x3C00  }
0x81: {  	[sflag:s21] =	ssyncset.done $0x0  }
0x82: {  	[sflag:s21] =	ssyncadd.s32 $0xFFFFC400  }
0x83: {  	_ =	swait.ge [sflag:s17], $0x3C00  }
0x84: {  	[sflag:s17] =	ssyncset.done $0x0  }
0x85: {  	s30 =	simm.s32 $0x100;
	[sflag:s17] =	ssyncadd.s32 $0xFFFFC400  }
0x86: {  	[tilespmem:s19], [sflag:$0x1] =	stream.indirect.gather [hbm4b:s5+s18], $0x80, s30, s18, $0xb8;
	[tilespmem:$0x1E800] =	vst v63  }
0x87: {  	s31 =	simm.s32 $0x1880  }
0x88: {  	[spmem:s2] =	stream.indirect.scatter.add.f32 [tilespmem:s20], [sflag:$0x3], $0x80, s31, s18, $0xb8;
	[tilespmem:$0x1E800] =	vst v63  }
0x89: {  	_ =	swait.ge [sflag:s21], $0x3C00  }
0x8a: {  	s25 =	simm.s32 $0x400;
	[sflag:s21] =	ssyncset.done $0x0  }
.LBB2_10:
0x8b: {  	p1 =	sne.s32 s25, $0x4C00  }
0x8c: {  	[sflag:s21] =	ssyncadd.s32 $0xFFFFC400;
	s26 =	smov.u32 s25;
	s25 =	sadd.s32 $0x400, s25  }
0x8d: {  	_ = 	snop  }
0x8e: {  	_ =	swait.ge [sflag:s15], $0x3C00  }
0x8f: {  	s26 =	sshra.s32 s26, $0x2;
	[sflag:s15] =	ssyncset.done $0x0  }
0x90: {  	s28 =	sadd.s32 $0x80, s26;
	[sflag:s15] =	ssyncadd.s32 $0xFFFFC400  }
0x91: {  	[tilespmem:s20], [sflag:$0x2] =	stream.indirect.gather [hbm4b:s5+s18], $0x80, s28, s18, $0xb8;
	[tilespmem:$0x1E800] =	vst v63  }
0x92: {  	s28 =	sadd.s32 $0x1800, s26  }
0x93: {  	[spmem:s2] =	stream.indirect.scatter.add.f32 [tilespmem:s19], [sflag:$0x3], $0x80, s28, s18, $0xb8;
	[tilespmem:$0x1E800] =	vst v63  }
0x94: {  	_ =	swait.ge [sflag:s21], $0x3C00  }
0x95: {  	[sflag:s21] =	ssyncset.done $0x0  }
0x96: {  	[sflag:s21] =	ssyncadd.s32 $0xFFFFC400  }
0x97: {  	_ =	swait.ge [sflag:s17], $0x3C00  }
0x98: {  	[sflag:s17] =	ssyncset.done $0x0  }
0x99: {  	s28 =	sadd.s32 $0x100, s26;
	[sflag:s17] =	ssyncadd.s32 $0xFFFFC400  }
0x9a: {  	[tilespmem:s19], [sflag:$0x1] =	stream.indirect.gather [hbm4b:s5+s18], $0x80, s28, s18, $0xb8;
	[tilespmem:$0x1E800] =	vst v63  }
.Ltmp4:
0x9b: {  	_ = 	snop;
	(pc) =	sbr.rel @p1 .LBB2_10-.Ltmp4, $4  }
0x9c: {  	s26 =	sadd.s32 $0x1880, s26  }
0x9d: {  	[spmem:s2] =	stream.indirect.scatter.add.f32 [tilespmem:s20], [sflag:$0x3], $0x80, s26, s18, $0xb8;
	[tilespmem:$0x1E800] =	vst v63  }
0x9e: {  	_ =	swait.ge [sflag:s21], $0x3C00  }
0x9f: {  	[sflag:s21] =	ssyncset.done $0x0  }
.Ltmp5:
0xa0: {  	_ = 	snop;
	(pc) =	sbr.rel .LBB2_11-.Ltmp5, $1  }
0xa1: {  	_ =	sdelay $0x3  }
.LBB2_2:
0xa2: {  	[tilespmem:s25], [sflag:$0x1] =	stream.linear.gather [hbm4b:s10+s25], $0x1500, $0x38;
	[tilespmem:$0x1E800] =	vst v63  }
0xa3: {  	_ =	swait.ge [sflag:s15], $0x1500  }
0xa4: {  	[sflag:s15] =	ssyncset.done $0x0  }
0xa5: {  	[sflag:s15] =	ssyncadd.s32 $0xFFFFEB00  }
0xa6: {  	[tilespmem:s16], [sflag:$0x2] =	stream.linear.gather [hbm4b:s11+s25], $0x1500, $0x38;
	[tilespmem:$0x1E800] =	vst v63  }
0xa7: {  	_ =	swait.ge [sflag:s17], $0x1500  }
0xa8: {  	[sflag:s17] =	ssyncset.done $0x0  }
0xa9: {  	[sflag:s17] =	ssyncadd.s32 $0xFFFFEB00  }
0xaa: {  	[tilespmem:s19], [sflag:$0x1] =	stream.indirect.gather [hbm4b:s4+s18], $0x80, s25, s18, $0xb8;
	[tilespmem:$0x1E800] =	vst v63  }
0xab: {  	_ =	swait.ge [sflag:s15], $0x3C00  }
0xac: {  	[sflag:s15] =	ssyncset.done $0x0  }
0xad: {  	s28 =	simm.s32 $0x80;
	[sflag:s15] =	ssyncadd.s32 $0xFFFFC400  }
0xae: {  	[tilespmem:s20], [sflag:$0x2] =	stream.indirect.gather [hbm4b:s4+s18], $0x80, s28, s18, $0xb8;
	[tilespmem:$0x1E800] =	vst v63  }
0xaf: {  	s29 =	simm.s32 $0x1800  }
0xb0: {  	[spmem:s2] =	stream.indirect.scatter.add.f32 [tilespmem:s19], [sflag:$0x3], $0x80, s29, s18, $0xb8;
	[tilespmem:$0x1E800] =	vst v63  }
0xb1: {  	_ =	swait.ge [sflag:s21], $0x3C00  }
0xb2: {  	[sflag:s21] =	ssyncset.done $0x0  }
0xb3: {  	[sflag:s21] =	ssyncadd.s32 $0xFFFFC400  }
0xb4: {  	_ =	swait.ge [sflag:s17], $0x3C00  }
0xb5: {  	[sflag:s17] =	ssyncset.done $0x0  }
0xb6: {  	s30 =	simm.s32 $0x100;
	[sflag:s17] =	ssyncadd.s32 $0xFFFFC400  }
0xb7: {  	[tilespmem:s19], [sflag:$0x1] =	stream.indirect.gather [hbm4b:s4+s18], $0x80, s30, s18, $0xb8;
	[tilespmem:$0x1E800] =	vst v63  }
0xb8: {  	s31 =	simm.s32 $0x1880  }
0xb9: {  	[spmem:s2] =	stream.indirect.scatter.add.f32 [tilespmem:s20], [sflag:$0x3], $0x80, s31, s18, $0xb8;
	[tilespmem:$0x1E800] =	vst v63  }
0xba: {  	_ =	swait.ge [sflag:s21], $0x3C00  }
0xbb: {  	s25 =	simm.s32 $0x400;
	[sflag:s21] =	ssyncset.done $0x0  }
.LBB2_3:
0xbc: {  	p1 =	sne.s32 s25, $0x4C00  }
0xbd: {  	[sflag:s21] =	ssyncadd.s32 $0xFFFFC400;
	s26 =	smov.u32 s25;
	s25 =	sadd.s32 $0x400, s25  }
0xbe: {  	_ = 	snop  }
0xbf: {  	_ =	swait.ge [sflag:s15], $0x3C00  }
0xc0: {  	s26 =	sshra.s32 s26, $0x2;
	[sflag:s15] =	ssyncset.done $0x0  }
0xc1: {  	s28 =	sadd.s32 $0x80, s26;
	[sflag:s15] =	ssyncadd.s32 $0xFFFFC400  }
0xc2: {  	[tilespmem:s20], [sflag:$0x2] =	stream.indirect.gather [hbm4b:s4+s18], $0x80, s28, s18, $0xb8;
	[tilespmem:$0x1E800] =	vst v63  }
0xc3: {  	s28 =	sadd.s32 $0x1800, s26  }
0xc4: {  	[spmem:s2] =	stream.indirect.scatter.add.f32 [tilespmem:s19], [sflag:$0x3], $0x80, s28, s18, $0xb8;
	[tilespmem:$0x1E800] =	vst v63  }
0xc5: {  	_ =	swait.ge [sflag:s21], $0x3C00  }
0xc6: {  	[sflag:s21] =	ssyncset.done $0x0  }
0xc7: {  	[sflag:s21] =	ssyncadd.s32 $0xFFFFC400  }
0xc8: {  	_ =	swait.ge [sflag:s17], $0x3C00  }
0xc9: {  	[sflag:s17] =	ssyncset.done $0x0  }
0xca: {  	s28 =	sadd.s32 $0x100, s26;
	[sflag:s17] =	ssyncadd.s32 $0xFFFFC400  }
0xcb: {  	[tilespmem:s19], [sflag:$0x1] =	stream.indirect.gather [hbm4b:s4+s18], $0x80, s28, s18, $0xb8;
	[tilespmem:$0x1E800] =	vst v63  }
.Ltmp6:
0xcc: {  	_ = 	snop;
	(pc) =	sbr.rel @p1 .LBB2_3-.Ltmp6, $4  }
0xcd: {  	s26 =	sadd.s32 $0x1880, s26  }
0xce: {  	[spmem:s2] =	stream.indirect.scatter.add.f32 [tilespmem:s20], [sflag:$0x3], $0x80, s26, s18, $0xb8;
	[tilespmem:$0x1E800] =	vst v63  }
0xcf: {  	_ =	swait.ge [sflag:s21], $0x3C00  }
0xd0: {  	[sflag:s21] =	ssyncset.done $0x0  }
0xd1: {  	[sflag:s21] =	ssyncadd.s32 $0xFFFFC400  }
0xd2: {  	_ =	swait.ge [sflag:s15], $0x3C00  }
0xd3: {  	[sflag:s15] =	ssyncset.done $0x0  }
0xd4: {  	[sflag:s15] =	ssyncadd.s32 $0xFFFFC400  }
0xd5: {  	[tilespmem:s20], [sflag:$0x2] =	stream.indirect.gather [hbm4b:s4+s18], $0x80, s22, s18, $0xb8;
	[tilespmem:$0x1E800] =	vst v63  }
0xd6: {  	_ = 	snop  }
0xd7: {  	[spmem:s2] =	stream.indirect.scatter.add.f32 [tilespmem:s19], [sflag:$0x3], $0x80, s23, s18, $0xb8;
	[tilespmem:$0x1E800] =	vst v63  }
0xd8: {  	_ =	swait.ge [sflag:s21], $0x3C00  }
0xd9: {  	[sflag:s21] =	ssyncset.done $0x0  }
0xda: {  	[sflag:s21] =	ssyncadd.s32 $0xFFFFC400  }
0xdb: {  	_ =	swait.ge [sflag:s17], $0x3C00  }
0xdc: {  	[sflag:s17] =	ssyncset.done $0x0  }
0xdd: {  	[sflag:s17] =	ssyncadd.s32 $0xFFFFC400  }
0xde: {  	[spmem:s2] =	stream.indirect.scatter.add.f32 [tilespmem:s20], [sflag:$0x3], $0x80, s24, s18, $0xb8;
	[tilespmem:$0x1E800] =	vst v63  }
0xdf: {  	_ =	swait.ge [sflag:s21], $0x3C00  }
0xe0: {  	[sflag:s21] =	ssyncset.done $0x0  }
0xe1: {  	s25 =	simm.s32 $0x0;
	[sflag:s21] =	ssyncadd.s32 $0xFFFFC400  }
0xe2: {  	[tilespmem:s25], [sflag:$0x1] =	stream.linear.gather [hbm4b:s12+s25], $0x1500, $0x38;
	[tilespmem:$0x1E800] =	vst v63  }
0xe3: {  	_ =	swait.ge [sflag:s15], $0x1500  }
0xe4: {  	[sflag:s15] =	ssyncset.done $0x0  }
0xe5: {  	[sflag:s15] =	ssyncadd.s32 $0xFFFFEB00  }
0xe6: {  	[tilespmem:s16], [sflag:$0x2] =	stream.linear.gather [hbm4b:s13+s25], $0x1500, $0x38;
	[tilespmem:$0x1E800] =	vst v63  }
0xe7: {  	_ =	swait.ge [sflag:s17], $0x1500  }
0xe8: {  	[sflag:s17] =	ssyncset.done $0x0  }
0xe9: {  	[sflag:s17] =	ssyncadd.s32 $0xFFFFEB00  }
0xea: {  	[tilespmem:s19], [sflag:$0x1] =	stream.indirect.gather [hbm4b:s4+s18], $0x80, s25, s18, $0xb8;
	[tilespmem:$0x1E800] =	vst v63  }
0xeb: {  	_ =	swait.ge [sflag:s15], $0x3C00  }
0xec: {  	[sflag:s15] =	ssyncset.done $0x0  }
0xed: {  	s28 =	simm.s32 $0x80;
	[sflag:s15] =	ssyncadd.s32 $0xFFFFC400  }
0xee: {  	[tilespmem:s20], [sflag:$0x2] =	stream.indirect.gather [hbm4b:s4+s18], $0x80, s28, s18, $0xb8;
	[tilespmem:$0x1E800] =	vst v63  }
0xef: {  	s29 =	simm.s32 $0x1800  }
0xf0: {  	[spmem:s2] =	stream.indirect.scatter.add.f32 [tilespmem:s19], [sflag:$0x3], $0x80, s29, s18, $0xb8;
	[tilespmem:$0x1E800] =	vst v63  }
0xf1: {  	_ =	swait.ge [sflag:s21], $0x3C00  }
0xf2: {  	[sflag:s21] =	ssyncset.done $0x0  }
0xf3: {  	[sflag:s21] =	ssyncadd.s32 $0xFFFFC400  }
0xf4: {  	_ =	swait.ge [sflag:s17], $0x3C00  }
0xf5: {  	[sflag:s17] =	ssyncset.done $0x0  }
0xf6: {  	s30 =	simm.s32 $0x100;
	[sflag:s17] =	ssyncadd.s32 $0xFFFFC400  }
0xf7: {  	[tilespmem:s19], [sflag:$0x1] =	stream.indirect.gather [hbm4b:s4+s18], $0x80, s30, s18, $0xb8;
	[tilespmem:$0x1E800] =	vst v63  }
0xf8: {  	s31 =	simm.s32 $0x1880  }
0xf9: {  	[spmem:s2] =	stream.indirect.scatter.add.f32 [tilespmem:s20], [sflag:$0x3], $0x80, s31, s18, $0xb8;
	[tilespmem:$0x1E800] =	vst v63  }
0xfa: {  	_ =	swait.ge [sflag:s21], $0x3C00  }
0xfb: {  	s25 =	simm.s32 $0x400;
	[sflag:s21] =	ssyncset.done $0x0  }
.LBB2_5:
0xfc: {  	p1 =	seq.s32 s25, $0x4C00  }
0xfd: {  	[sflag:s21] =	ssyncadd.s32 $0xFFFFC400;
	s26 =	smov.u32 s25;
	s25 =	sadd.s32 $0x400, s25  }
0xfe: {  	_ = 	snop  }
0xff: {  	_ =	swait.ge [sflag:s15], $0x3C00  }
0x100: {  	s26 =	sshra.s32 s26, $0x2;
	[sflag:s15] =	ssyncset.done $0x0  }
0x101: {  	s28 =	sadd.s32 $0x80, s26;
	[sflag:s15] =	ssyncadd.s32 $0xFFFFC400  }
0x102: {  	[tilespmem:s20], [sflag:$0x2] =	stream.indirect.gather [hbm4b:s4+s18], $0x80, s28, s18, $0xb8;
	[tilespmem:$0x1E800] =	vst v63  }
0x103: {  	s28 =	sadd.s32 $0x1800, s26  }
0x104: {  	[spmem:s2] =	stream.indirect.scatter.add.f32 [tilespmem:s19], [sflag:$0x3], $0x80, s28, s18, $0xb8;
	[tilespmem:$0x1E800] =	vst v63  }
0x105: {  	_ =	swait.ge [sflag:s21], $0x3C00  }
0x106: {  	[sflag:s21] =	ssyncset.done $0x0  }
0x107: {  	[sflag:s21] =	ssyncadd.s32 $0xFFFFC400  }
0x108: {  	_ =	swait.ge [sflag:s17], $0x3C00  }
0x109: {  	[sflag:s17] =	ssyncset.done $0x0  }
0x10a: {  	s28 =	sadd.s32 $0x100, s26;
	[sflag:s17] =	ssyncadd.s32 $0xFFFFC400  }
0x10b: {  	[tilespmem:s19], [sflag:$0x1] =	stream.indirect.gather [hbm4b:s4+s18], $0x80, s28, s18, $0xb8;
	[tilespmem:$0x1E800] =	vst v63  }
.Ltmp7:
0x10c: {  	_ = 	snop;
	(pc) =	sbr.rel @!p1 .LBB2_5-.Ltmp7, $4  }
0x10d: {  	s26 =	sadd.s32 $0x1880, s26  }
0x10e: {  	[spmem:s2] =	stream.indirect.scatter.add.f32 [tilespmem:s20], [sflag:$0x3], $0x80, s26, s18, $0xb8;
	[tilespmem:$0x1E800] =	vst v63  }
0x10f: {  	_ =	swait.ge [sflag:s21], $0x3C00  }
0x110: {  	[sflag:s21] =	ssyncset.done $0x0  }
.Ltmp8:
0x111: {  	(pc) =	sbr.rel .LBB2_12-.Ltmp8, $2  }
0x112: {  	_ =	sdelay $0x2  }
0x113: {  	[sflag:s21] =	ssyncadd.s32 $0xFFFFC400;
	s25 =	smov.u32 s4  }
.LBB2_13:
0x114: {  	_ =	sfence.sel $0x180000  }
0x115: {  	[bflag:$0x0] =	sbarrier.arrive $0xFFFF  }
0x116: {  	p0 =	sne.s32 s1, $0x0;
	_ =	strace $0x90000047  }
0x117: {  	s0 =	sadd.s32 @!p0 $0x100000, s0;
	[bflag:$0x2] =	sbarrier.arrive $0xFFFF  }
0x118: {  	[sflag:s0] =	ssyncadd.tile.s32 @!p0 $0x1;
	_ =	shalt  }
.Lfunc_end2:
_tile_overlayer_lowered:
.L_overlay_start_2:
0x119: {  	(tag) =	ssettag $0x2  }
0x11a: {  	s0 =	rddreg [dreg:$0x0];
	s2 =	stileid.u32  }
0x11b: {  	s1 =	rddreg [dreg:$0x1];
	p0 =	sne.s32 s2, $0x0  }
0x11c: {  	s3 =	rddreg [dreg:$0x2];
	[bflag:$0x3] =	sbarrier.arrive $0xFFFF;
	s2 =	simm.s32 @!p0 $0x1C03  }
0x11d: {  	[timem:s3], [sflag:s2] =	dma.local @!p0 [hbm:s0], s1  }
0x11e: {  	s0 =	simm.s32 @!p0 $0x3  }
0x11f: {  	_ =	swait.ge @!p0 [sflag:s0], s1  }
0x120: {  	s1 =	ssub.s32 @!p0 $0x0, s1;
	[sflag:s0] =	ssyncset.done @!p0 $0x0  }
0x121: {  	[sflag:s0] =	ssyncadd.s32 @!p0 s1  }
0x122: {  	[bflag:$0x3] =	sbarrier.arrive $0xFFFF  }
0x123: {  	_ =	shalt  }

</sc_bundles>
